<compile_context>
chip_gen: v7x
topology: tpu7x:2x2x1
jax: 0.10.2.dev20260603
libtpu: 0.0.44.dev20260713+nightly
codegen_flags: <defaults>
</compile_context>

<pallas_src>
import functools

import jax
import jax.numpy as jnp
from jax import lax
from jax.experimental import pallas as pl
from jax.experimental.pallas import tpu as pltpu
from jax.experimental.pallas import tpu_sc as plsc

NW = 32
K = 16
TABLE = 1_000_000
CHUNK = 62_496
SUB = 15_624
LANE = 128
ROW = 100
BR = 64
NB = 8


def _take_kernel(n_flat):
    bn = BR * LANE
    mesh = plsc.VectorSubcoreMesh(core_axis_name="c", subcore_axis_name="s")

    @functools.partial(
        pl.kernel,
        mesh=mesh,
        out_type=jax.ShapeDtypeStruct((n_flat,), jnp.float32),
        scratch_types=[
            pltpu.VMEM((bn,), jnp.int32),
            pltpu.VMEM((bn,), jnp.int32),
            pltpu.VMEM((bn,), jnp.float32),
            pltpu.VMEM((bn,), jnp.float32),
            pltpu.VMEM((SUB,), jnp.float32),
            pltpu.VMEM_SHARED((TABLE,), jnp.float32),
            pltpu.SemaphoreType.DMA,
            pltpu.SemaphoreType.DMA,
            pltpu.SemaphoreType.DMA,
        ],
    )
    def k(x_hbm, idx_hbm, out_hbm, idx_a, idx_b, out_a, out_b, bounce,
          table_sh, sem, sem_idx, sem_out):
        cid = lax.axis_index("c")
        sid = lax.axis_index("s")
        wid = sid * 2 + cid
        base = wid * (NB * bn)
        idx_bufs = (idx_a, idx_b)
        out_bufs = (out_a, out_b)

        def idx_load(blk, slot):
            return pltpu.make_async_copy(
                idx_hbm.at[pl.ds(base + blk * bn, bn)], idx_bufs[slot],
                sem_idx)

        def out_store(blk, slot):
            return pltpu.make_async_copy(
                out_bufs[slot], out_hbm.at[pl.ds(base + blk * bn, bn)],
                sem_out)

        idx_load(0, 0).start()

        off = sid * CHUNK
        for p in range(CHUNK // SUB):
            s = off + p * SUB
            pltpu.sync_copy(x_hbm.at[pl.ds(s, SUB)], bounce)
            pltpu.sync_copy(bounce, table_sh.at[pl.ds(s, SUB)])

        @pl.when(sid == 15)
        def _tail():
            pltpu.sync_copy(x_hbm.at[pl.ds(16 * CHUNK, 64)],
                            bounce.at[pl.ds(0, 64)])
            pltpu.sync_copy(bounce.at[pl.ds(0, 64)],
                            table_sh.at[pl.ds(16 * CHUNK, 64)])

        plsc.subcore_barrier()

        for blk in range(NB):
            slot = blk % 2
            if blk + 1 < NB:
                idx_load(blk + 1, 1 - slot).start()
            idx_load(blk, slot).wait()
            if blk >= 2:
                out_store(blk - 2, slot).wait()

            ib, ob = idx_bufs[slot], out_bufs[slot]

            def row_gather(r):
                return pltpu.make_async_copy(
                    table_sh.at[ib.at[pl.ds(r * LANE, ROW)]],
                    ob.at[pl.ds(r * LANE, ROW)], sem)

            def body(r, _):
                row_gather(r).start()

                @pl.when(r >= K)
                def _w():
                    row_gather(r - K).wait()

                return 0

            lax.fori_loop(0, BR, body, 0, unroll=False)

            def tail(j, _):
                row_gather(BR - K + j).wait()
                return 0

            lax.fori_loop(0, K, tail, 0, unroll=False)
            out_store(blk, slot).start()

        out_store(NB - 2, NB % 2).wait()
        out_store(NB - 1, 1 - NB % 2).wait()

    return k


def kernel(x, index):
    rows, row = index.shape
    pad = LANE - row
    idx_flat = jnp.pad(index.astype(jnp.int32), ((0, 0), (0, pad))).reshape(-1)
    out_flat = _take_kernel(rows * LANE)(x, idx_flat)
    return out_flat.reshape(rows, LANE)[:, :row]

# --- scband reference (transcript-rebuilt; emitter-appended) ---
"""Pipeline reference for scband-torch-ops-aten-take-module-53987738911009 (READ-ONLY COPY).

The authoritative reference and input builder live on the scoring server;
editing this copy changes nothing except your own understanding.
"""

import jax, jax.numpy as jnp
import numpy as np


def setup_inputs(seed: int = 0) -> dict:
    key = jax.random.key(seed)
    kx, ki = jax.random.split(key)
    x = jax.random.normal(kx, (1000000,), dtype=jnp.float32)
    index = jax.random.randint(ki, (16384, 100), 0, 1000000, dtype=jnp.int64)
    return {"x": x, "index": index}


def reference(x, index):
    # torch.ops.aten.take flattens x and gathers at flat indices; output has index's shape
    flat = jnp.reshape(x, (-1,))
    return jnp.take(flat, index)

if __name__ == "__main__":
    import jax
    _d = setup_inputs()
    print(jax.jit(kernel)(*tuple(_d.values())))

</pallas_src>

<mosaic_0001>
#map = affine_map<(d0, d1) -> (0)>
module attributes {stable_mosaic.version = 14 : i64} {
  func.func @k(%arg0: i32, %arg1: i32, %arg2: memref<1000000xf32, #tpu.memory_space<hbm>>, %arg3: memref<2097152xi32, #tpu.memory_space<hbm>>, %arg4: memref<2097152xf32, #tpu.memory_space<hbm>>, %arg5: memref<8192xi32, #tpu.memory_space<vmem>>, %arg6: memref<8192xi32, #tpu.memory_space<vmem>>, %arg7: memref<8192xf32, #tpu.memory_space<vmem>>, %arg8: memref<8192xf32, #tpu.memory_space<vmem>>, %arg9: memref<15624xf32, #tpu.memory_space<vmem>>, %arg10: memref<1000000xf32, #tpu.memory_space<vmem_shared>>, %arg11: memref<!tpu.dma_semaphore, #tpu.memory_space<semaphore_mem>>, %arg12: memref<!tpu.dma_semaphore, #tpu.memory_space<semaphore_mem>>, %arg13: memref<!tpu.dma_semaphore, #tpu.memory_space<semaphore_mem>>) attributes {dimension_semantics = [#tpu.dimension_semantics<core_parallel>, #tpu.dimension_semantics<subcore_parallel>], iteration_bounds = array<i64: 2, 16>, scalar_prefetch = 0 : i64, scratch_operands = 9 : i64, tpu.core_type = #tpu.core_type<sc_vector_subcore>, window_params = [{transform_indices = #map}, {transform_indices = #map}, {transform_indices = #map}]} {
    %mul3A = arith.constant 2 : i32
    %mul3A_0 = arith.muli %arg1, %mul3A : i32
    %add3A = arith.addi %mul3A_0, %arg0 : i32
    %mul3A_1 = arith.constant 65536 : i32
    %mul3A_2 = arith.muli %add3A, %mul3A_1 : i32
    %add3A_3 = arith.constant 0 : i32
    %add3A_4 = arith.addi %mul3A_2, %add3A_3 : i32
    %dma_start3A = tpu.memref_slice %arg3[%add3A_4] : memref<2097152xi32, #tpu.memory_space<hbm>> -> memref<8192xi32, #tpu.memory_space<hbm>>
    %dma_start3A_5 = tpu.memref_slice %arg3[%add3A_4] : memref<2097152xi32, #tpu.memory_space<hbm>> -> memref<8192xi32, #tpu.memory_space<hbm>>
    tpu.enqueue_dma source(%dma_start3A_5 : memref<8192xi32, #tpu.memory_space<hbm>>) target(%arg5 : memref<8192xi32, #tpu.memory_space<vmem>>) target_semaphore(%arg12 : memref<!tpu.dma_semaphore, #tpu.memory_space<semaphore_mem>>)
    %mul3A_6 = arith.constant 62496 : i32
    %mul3A_7 = arith.muli %arg1, %mul3A_6 : i32
    %add3A_8 = arith.constant 0 : i32
    %add3A_9 = arith.addi %mul3A_7, %add3A_8 : i32
    "tpu.region"() ({
      %run_scoped3A = tpu.sem_alloc : memref<!tpu.dma_semaphore, #tpu.memory_space<semaphore_mem>>
      %dma_start3A_252 = tpu.memref_slice %arg2[%add3A_9] : memref<1000000xf32, #tpu.memory_space<hbm>> -> memref<15624xf32, #tpu.memory_space<hbm>>
      %dma_start3A_253 = tpu.memref_slice %arg2[%add3A_9] : memref<1000000xf32, #tpu.memory_space<hbm>> -> memref<15624xf32, #tpu.memory_space<hbm>>
      tpu.enqueue_dma source(%dma_start3A_253 : memref<15624xf32, #tpu.memory_space<hbm>>) target(%arg9 : memref<15624xf32, #tpu.memory_space<vmem>>) target_semaphore(%run_scoped3A : memref<!tpu.dma_semaphore, #tpu.memory_space<semaphore_mem>>)
      %dma_wait3A_254 = tpu.memref_slice %arg2[%add3A_9] : memref<1000000xf32, #tpu.memory_space<hbm>> -> memref<15624xf32, #tpu.memory_space<hbm>>
      %dma_wait3A_255 = tpu.memref_slice %arg2[%add3A_9] : memref<1000000xf32, #tpu.memory_space<hbm>> -> memref<15624xf32, #tpu.memory_space<hbm>>
      tpu.wait_dma2 semaphore(%run_scoped3A : memref<!tpu.dma_semaphore, #tpu.memory_space<semaphore_mem>>) src(%dma_wait3A_255 : memref<15624xf32, #tpu.memory_space<hbm>>) dst(%arg9 : memref<15624xf32, #tpu.memory_space<vmem>>)
      tpu.yield
    }) : () -> ()
    "tpu.region"() ({
      %run_scoped3A = tpu.sem_alloc : memref<!tpu.dma_semaphore, #tpu.memory_space<semaphore_mem>>
      %dma_start3A_252 = tpu.memref_slice %arg10[%add3A_9] : memref<1000000xf32, #tpu.memory_space<vmem_shared>> -> memref<15624xf32, #tpu.memory_space<vmem_shared>>
      %dma_start3A_253 = tpu.memref_slice %arg10[%add3A_9] : memref<1000000xf32, #tpu.memory_space<vmem_shared>> -> memref<15624xf32, #tpu.memory_space<vmem_shared>>
      tpu.enqueue_dma source(%arg9 : memref<15624xf32, #tpu.memory_space<vmem>>) target(%dma_start3A_253 : memref<15624xf32, #tpu.memory_space<vmem_shared>>) target_semaphore(%run_scoped3A : memref<!tpu.dma_semaphore, #tpu.memory_space<semaphore_mem>>)
      %dma_wait3A_254 = tpu.memref_slice %arg10[%add3A_9] : memref<1000000xf32, #tpu.memory_space<vmem_shared>> -> memref<15624xf32, #tpu.memory_space<vmem_shared>>
      %dma_wait3A_255 = tpu.memref_slice %arg10[%add3A_9] : memref<1000000xf32, #tpu.memory_space<vmem_shared>> -> memref<15624xf32, #tpu.memory_space<vmem_shared>>
      tpu.wait_dma2 semaphore(%run_scoped3A : memref<!tpu.dma_semaphore, #tpu.memory_space<semaphore_mem>>) src(%arg9 : memref<15624xf32, #tpu.memory_space<vmem>>) dst(%dma_wait3A_255 : memref<15624xf32, #tpu.memory_space<vmem_shared>>)
      tpu.yield
    }) : () -> ()
    %add3A_10 = arith.constant 15624 : i32
    %add3A_11 = arith.addi %mul3A_7, %add3A_10 : i32
    "tpu.region"() ({
      %run_scoped3A = tpu.sem_alloc : memref<!tpu.dma_semaphore, #tpu.memory_space<semaphore_mem>>
      %dma_start3A_252 = tpu.memref_slice %arg2[%add3A_11] : memref<1000000xf32, #tpu.memory_space<hbm>> -> memref<15624xf32, #tpu.memory_space<hbm>>
      %dma_start3A_253 = tpu.memref_slice %arg2[%add3A_11] : memref<1000000xf32, #tpu.memory_space<hbm>> -> memref<15624xf32, #tpu.memory_space<hbm>>
      tpu.enqueue_dma source(%dma_start3A_253 : memref<15624xf32, #tpu.memory_space<hbm>>) target(%arg9 : memref<15624xf32, #tpu.memory_space<vmem>>) target_semaphore(%run_scoped3A : memref<!tpu.dma_semaphore, #tpu.memory_space<semaphore_mem>>)
      %dma_wait3A_254 = tpu.memref_slice %arg2[%add3A_11] : memref<1000000xf32, #tpu.memory_space<hbm>> -> memref<15624xf32, #tpu.memory_space<hbm>>
      %dma_wait3A_255 = tpu.memref_slice %arg2[%add3A_11] : memref<1000000xf32, #tpu.memory_space<hbm>> -> memref<15624xf32, #tpu.memory_space<hbm>>
      tpu.wait_dma2 semaphore(%run_scoped3A : memref<!tpu.dma_semaphore, #tpu.memory_space<semaphore_mem>>) src(%dma_wait3A_255 : memref<15624xf32, #tpu.memory_space<hbm>>) dst(%arg9 : memref<15624xf32, #tpu.memory_space<vmem>>)
      tpu.yield
    }) : () -> ()
    "tpu.region"() ({
      %run_scoped3A = tpu.sem_alloc : memref<!tpu.dma_semaphore, #tpu.memory_space<semaphore_mem>>
      %dma_start3A_252 = tpu.memref_slice %arg10[%add3A_11] : memref<1000000xf32, #tpu.memory_space<vmem_shared>> -> memref<15624xf32, #tpu.memory_space<vmem_shared>>
      %dma_start3A_253 = tpu.memref_slice %arg10[%add3A_11] : memref<1000000xf32, #tpu.memory_space<vmem_shared>> -> memref<15624xf32, #tpu.memory_space<vmem_shared>>
      tpu.enqueue_dma source(%arg9 : memref<15624xf32, #tpu.memory_space<vmem>>) target(%dma_start3A_253 : memref<15624xf32, #tpu.memory_space<vmem_shared>>) target_semaphore(%run_scoped3A : memref<!tpu.dma_semaphore, #tpu.memory_space<semaphore_mem>>)
      %dma_wait3A_254 = tpu.memref_slice %arg10[%add3A_11] : memref<1000000xf32, #tpu.memory_space<vmem_shared>> -> memref<15624xf32, #tpu.memory_space<vmem_shared>>
      %dma_wait3A_255 = tpu.memref_slice %arg10[%add3A_11] : memref<1000000xf32, #tpu.memory_space<vmem_shared>> -> memref<15624xf32, #tpu.memory_space<vmem_shared>>
      tpu.wait_dma2 semaphore(%run_scoped3A : memref<!tpu.dma_semaphore, #tpu.memory_space<semaphore_mem>>) src(%arg9 : memref<15624xf32, #tpu.memory_space<vmem>>) dst(%dma_wait3A_255 : memref<15624xf32, #tpu.memory_space<vmem_shared>>)
      tpu.yield
    }) : () -> ()
    %add3A_12 = arith.constant 31248 : i32
    %add3A_13 = arith.addi %mul3A_7, %add3A_12 : i32
    "tpu.region"() ({
      %run_scoped3A = tpu.sem_alloc : memref<!tpu.dma_semaphore, #tpu.memory_space<semaphore_mem>>
      %dma_start3A_252 = tpu.memref_slice %arg2[%add3A_13] : memref<1000000xf32, #tpu.memory_space<hbm>> -> memref<15624xf32, #tpu.memory_space<hbm>>
      %dma_start3A_253 = tpu.memref_slice %arg2[%add3A_13] : memref<1000000xf32, #tpu.memory_space<hbm>> -> memref<15624xf32, #tpu.memory_space<hbm>>
      tpu.enqueue_dma source(%dma_start3A_253 : memref<15624xf32, #tpu.memory_space<hbm>>) target(%arg9 : memref<15624xf32, #tpu.memory_space<vmem>>) target_semaphore(%run_scoped3A : memref<!tpu.dma_semaphore, #tpu.memory_space<semaphore_mem>>)
      %dma_wait3A_254 = tpu.memref_slice %arg2[%add3A_13] : memref<1000000xf32, #tpu.memory_space<hbm>> -> memref<15624xf32, #tpu.memory_space<hbm>>
      %dma_wait3A_255 = tpu.memref_slice %arg2[%add3A_13] : memref<1000000xf32, #tpu.memory_space<hbm>> -> memref<15624xf32, #tpu.memory_space<hbm>>
      tpu.wait_dma2 semaphore(%run_scoped3A : memref<!tpu.dma_semaphore, #tpu.memory_space<semaphore_mem>>) src(%dma_wait3A_255 : memref<15624xf32, #tpu.memory_space<hbm>>) dst(%arg9 : memref<15624xf32, #tpu.memory_space<vmem>>)
      tpu.yield
    }) : () -> ()
    "tpu.region"() ({
      %run_scoped3A = tpu.sem_alloc : memref<!tpu.dma_semaphore, #tpu.memory_space<semaphore_mem>>
      %dma_start3A_252 = tpu.memref_slice %arg10[%add3A_13] : memref<1000000xf32, #tpu.memory_space<vmem_shared>> -> memref<15624xf32, #tpu.memory_space<vmem_shared>>
      %dma_start3A_253 = tpu.memref_slice %arg10[%add3A_13] : memref<1000000xf32, #tpu.memory_space<vmem_shared>> -> memref<15624xf32, #tpu.memory_space<vmem_shared>>
      tpu.enqueue_dma source(%arg9 : memref<15624xf32, #tpu.memory_space<vmem>>) target(%dma_start3A_253 : memref<15624xf32, #tpu.memory_space<vmem_shared>>) target_semaphore(%run_scoped3A : memref<!tpu.dma_semaphore, #tpu.memory_space<semaphore_mem>>)
      %dma_wait3A_254 = tpu.memref_slice %arg10[%add3A_13] : memref<1000000xf32, #tpu.memory_space<vmem_shared>> -> memref<15624xf32, #tpu.memory_space<vmem_shared>>
      %dma_wait3A_255 = tpu.memref_slice %arg10[%add3A_13] : memref<1000000xf32, #tpu.memory_space<vmem_shared>> -> memref<15624xf32, #tpu.memory_space<vmem_shared>>
      tpu.wait_dma2 semaphore(%run_scoped3A : memref<!tpu.dma_semaphore, #tpu.memory_space<semaphore_mem>>) src(%arg9 : memref<15624xf32, #tpu.memory_space<vmem>>) dst(%dma_wait3A_255 : memref<15624xf32, #tpu.memory_space<vmem_shared>>)
      tpu.yield
    }) : () -> ()
    %add3A_14 = arith.constant 46872 : i32
    %add3A_15 = arith.addi %mul3A_7, %add3A_14 : i32
    "tpu.region"() ({
      %run_scoped3A = tpu.sem_alloc : memref<!tpu.dma_semaphore, #tpu.memory_space<semaphore_mem>>
      %dma_start3A_252 = tpu.memref_slice %arg2[%add3A_15] : memref<1000000xf32, #tpu.memory_space<hbm>> -> memref<15624xf32, #tpu.memory_space<hbm>>
      %dma_start3A_253 = tpu.memref_slice %arg2[%add3A_15] : memref<1000000xf32, #tpu.memory_space<hbm>> -> memref<15624xf32, #tpu.memory_space<hbm>>
      tpu.enqueue_dma source(%dma_start3A_253 : memref<15624xf32, #tpu.memory_space<hbm>>) target(%arg9 : memref<15624xf32, #tpu.memory_space<vmem>>) target_semaphore(%run_scoped3A : memref<!tpu.dma_semaphore, #tpu.memory_space<semaphore_mem>>)
      %dma_wait3A_254 = tpu.memref_slice %arg2[%add3A_15] : memref<1000000xf32, #tpu.memory_space<hbm>> -> memref<15624xf32, #tpu.memory_space<hbm>>
      %dma_wait3A_255 = tpu.memref_slice %arg2[%add3A_15] : memref<1000000xf32, #tpu.memory_space<hbm>> -> memref<15624xf32, #tpu.memory_space<hbm>>
      tpu.wait_dma2 semaphore(%run_scoped3A : memref<!tpu.dma_semaphore, #tpu.memory_space<semaphore_mem>>) src(%dma_wait3A_255 : memref<15624xf32, #tpu.memory_space<hbm>>) dst(%arg9 : memref<15624xf32, #tpu.memory_space<vmem>>)
      tpu.yield
    }) : () -> ()
    "tpu.region"() ({
      %run_scoped3A = tpu.sem_alloc : memref<!tpu.dma_semaphore, #tpu.memory_space<semaphore_mem>>
      %dma_start3A_252 = tpu.memref_slice %arg10[%add3A_15] : memref<1000000xf32, #tpu.memory_space<vmem_shared>> -> memref<15624xf32, #tpu.memory_space<vmem_shared>>
      %dma_start3A_253 = tpu.memref_slice %arg10[%add3A_15] : memref<1000000xf32, #tpu.memory_space<vmem_shared>> -> memref<15624xf32, #tpu.memory_space<vmem_shared>>
      tpu.enqueue_dma source(%arg9 : memref<15624xf32, #tpu.memory_space<vmem>>) target(%dma_start3A_253 : memref<15624xf32, #tpu.memory_space<vmem_shared>>) target_semaphore(%run_scoped3A : memref<!tpu.dma_semaphore, #tpu.memory_space<semaphore_mem>>)
      %dma_wait3A_254 = tpu.memref_slice %arg10[%add3A_15] : memref<1000000xf32, #tpu.memory_space<vmem_shared>> -> memref<15624xf32, #tpu.memory_space<vmem_shared>>
      %dma_wait3A_255 = tpu.memref_slice %arg10[%add3A_15] : memref<1000000xf32, #tpu.memory_space<vmem_shared>> -> memref<15624xf32, #tpu.memory_space<vmem_shared>>
      tpu.wait_dma2 semaphore(%run_scoped3A : memref<!tpu.dma_semaphore, #tpu.memory_space<semaphore_mem>>) src(%arg9 : memref<15624xf32, #tpu.memory_space<vmem>>) dst(%dma_wait3A_255 : memref<15624xf32, #tpu.memory_space<vmem_shared>>)
      tpu.yield
    }) : () -> ()
    %eq3A = arith.constant 15 : i32
    %eq3A_16 = arith.cmpi eq, %arg1, %eq3A : i32
    %convert_element_type3A = arith.extui %eq3A_16 : i1 to i32
    %cond3A = arith.constant 0 : i32
    %cond3A_17 = arith.cmpi ne, %convert_element_type3A, %cond3A : i32
    scf.if %cond3A_17 {
      "tpu.region"() ({
        %run_scoped3A = tpu.sem_alloc : memref<!tpu.dma_semaphore, #tpu.memory_space<semaphore_mem>>
        %dma_start3A_252 = arith.constant 0 : i32
        %dma_start3A_253 = tpu.memref_slice %arg9[%dma_start3A_252] : memref<15624xf32, #tpu.memory_space<vmem>> -> memref<64xf32, #tpu.memory_space<vmem>>
        %dma_start3A_254 = arith.constant 999936 : i32
        %dma_start3A_255 = tpu.memref_slice %arg2[%dma_start3A_254] : memref<1000000xf32, #tpu.memory_space<hbm>> -> memref<64xf32, #tpu.memory_space<hbm>>
        %dma_start3A_256 = arith.constant 0 : i32
        %dma_start3A_257 = tpu.memref_slice %arg9[%dma_start3A_256] : memref<15624xf32, #tpu.memory_space<vmem>> -> memref<64xf32, #tpu.memory_space<vmem>>
        %dma_start3A_258 = arith.constant 999936 : i32
        %dma_start3A_259 = tpu.memref_slice %arg2[%dma_start3A_258] : memref<1000000xf32, #tpu.memory_space<hbm>> -> memref<64xf32, #tpu.memory_space<hbm>>
        tpu.enqueue_dma source(%dma_start3A_259 : memref<64xf32, #tpu.memory_space<hbm>>) target(%dma_start3A_257 : memref<64xf32, #tpu.memory_space<vmem>>) target_semaphore(%run_scoped3A : memref<!tpu.dma_semaphore, #tpu.memory_space<semaphore_mem>>)
        %dma_wait3A_260 = arith.constant 0 : i32
        %dma_wait3A_261 = tpu.memref_slice %arg9[%dma_wait3A_260] : memref<15624xf32, #tpu.memory_space<vmem>> -> memref<64xf32, #tpu.memory_space<vmem>>
        %dma_wait3A_262 = arith.constant 999936 : i32
        %dma_wait3A_263 = tpu.memref_slice %arg2[%dma_wait3A_262] : memref<1000000xf32, #tpu.memory_space<hbm>> -> memref<64xf32, #tpu.memory_space<hbm>>
        %dma_wait3A_264 = arith.constant 0 : i32
        %dma_wait3A_265 = tpu.memref_slice %arg9[%dma_wait3A_264] : memref<15624xf32, #tpu.memory_space<vmem>> -> memref<64xf32, #tpu.memory_space<vmem>>
        %dma_wait3A_266 = arith.constant 999936 : i32
        %dma_wait3A_267 = tpu.memref_slice %arg2[%dma_wait3A_266] : memref<1000000xf32, #tpu.memory_space<hbm>> -> memref<64xf32, #tpu.memory_space<hbm>>
        tpu.wait_dma2 semaphore(%run_scoped3A : memref<!tpu.dma_semaphore, #tpu.memory_space<semaphore_mem>>) src(%dma_wait3A_267 : memref<64xf32, #tpu.memory_space<hbm>>) dst(%dma_wait3A_265 : memref<64xf32, #tpu.memory_space<vmem>>)
        tpu.yield
      }) : () -> ()
      "tpu.region"() ({
        %run_scoped3A = tpu.sem_alloc : memref<!tpu.dma_semaphore, #tpu.memory_space<semaphore_mem>>
        %dma_start3A_252 = arith.constant 0 : i32
        %dma_start3A_253 = tpu.memref_slice %arg9[%dma_start3A_252] : memref<15624xf32, #tpu.memory_space<vmem>> -> memref<64xf32, #tpu.memory_space<vmem>>
        %dma_start3A_254 = arith.constant 999936 : i32
        %dma_start3A_255 = tpu.memref_slice %arg10[%dma_start3A_254] : memref<1000000xf32, #tpu.memory_space<vmem_shared>> -> memref<64xf32, #tpu.memory_space<vmem_shared>>
        %dma_start3A_256 = arith.constant 999936 : i32
        %dma_start3A_257 = tpu.memref_slice %arg10[%dma_start3A_256] : memref<1000000xf32, #tpu.memory_space<vmem_shared>> -> memref<64xf32, #tpu.memory_space<vmem_shared>>
        %dma_start3A_258 = arith.constant 0 : i32
        %dma_start3A_259 = tpu.memref_slice %arg9[%dma_start3A_258] : memref<15624xf32, #tpu.memory_space<vmem>> -> memref<64xf32, #tpu.memory_space<vmem>>
        tpu.enqueue_dma source(%dma_start3A_259 : memref<64xf32, #tpu.memory_space<vmem>>) target(%dma_start3A_257 : memref<64xf32, #tpu.memory_space<vmem_shared>>) target_semaphore(%run_scoped3A : memref<!tpu.dma_semaphore, #tpu.memory_space<semaphore_mem>>)
        %dma_wait3A_260 = arith.constant 0 : i32
        %dma_wait3A_261 = tpu.memref_slice %arg9[%dma_wait3A_260] : memref<15624xf32, #tpu.memory_space<vmem>> -> memref<64xf32, #tpu.memory_space<vmem>>
        %dma_wait3A_262 = arith.constant 999936 : i32
        %dma_wait3A_263 = tpu.memref_slice %arg10[%dma_wait3A_262] : memref<1000000xf32, #tpu.memory_space<vmem_shared>> -> memref<64xf32, #tpu.memory_space<vmem_shared>>
        %dma_wait3A_264 = arith.constant 999936 : i32
        %dma_wait3A_265 = tpu.memref_slice %arg10[%dma_wait3A_264] : memref<1000000xf32, #tpu.memory_space<vmem_shared>> -> memref<64xf32, #tpu.memory_space<vmem_shared>>
        %dma_wait3A_266 = arith.constant 0 : i32
        %dma_wait3A_267 = tpu.memref_slice %arg9[%dma_wait3A_266] : memref<15624xf32, #tpu.memory_space<vmem>> -> memref<64xf32, #tpu.memory_space<vmem>>
        tpu.wait_dma2 semaphore(%run_scoped3A : memref<!tpu.dma_semaphore, #tpu.memory_space<semaphore_mem>>) src(%dma_wait3A_267 : memref<64xf32, #tpu.memory_space<vmem>>) dst(%dma_wait3A_265 : memref<64xf32, #tpu.memory_space<vmem_shared>>)
        tpu.yield
      }) : () -> ()
    } else {
    }
    %barrier3A = arith.constant 0 : index
    tpu.barrier barrier_id(%barrier3A)
    %add3A_18 = arith.constant 8192 : i32
    %add3A_19 = arith.addi %mul3A_2, %add3A_18 : i32
    %dma_start3A_20 = tpu.memref_slice %arg3[%add3A_19] : memref<2097152xi32, #tpu.memory_space<hbm>> -> memref<8192xi32, #tpu.memory_space<hbm>>
    %dma_start3A_21 = tpu.memref_slice %arg3[%add3A_19] : memref<2097152xi32, #tpu.memory_space<hbm>> -> memref<8192xi32, #tpu.memory_space<hbm>>
    tpu.enqueue_dma source(%dma_start3A_21 : memref<8192xi32, #tpu.memory_space<hbm>>) target(%arg6 : memref<8192xi32, #tpu.memory_space<vmem>>) target_semaphore(%arg12 : memref<!tpu.dma_semaphore, #tpu.memory_space<semaphore_mem>>)
    %add3A_22 = arith.constant 0 : i32
    %add3A_23 = arith.addi %mul3A_2, %add3A_22 : i32
    %dma_wait3A = tpu.memref_slice %arg3[%add3A_23] : memref<2097152xi32, #tpu.memory_space<hbm>> -> memref<8192xi32, #tpu.memory_space<hbm>>
    %dma_wait3A_24 = tpu.memref_slice %arg3[%add3A_23] : memref<2097152xi32, #tpu.memory_space<hbm>> -> memref<8192xi32, #tpu.memory_space<hbm>>
    tpu.wait_dma2 semaphore(%arg12 : memref<!tpu.dma_semaphore, #tpu.memory_space<semaphore_mem>>) src(%dma_wait3A_24 : memref<8192xi32, #tpu.memory_space<hbm>>) dst(%arg5 : memref<8192xi32, #tpu.memory_space<vmem>>)
    %scan3A = arith.constant 0 : i32
    %scan3A_25 = arith.constant 0 : i32
    %scan3A_26 = arith.constant 64 : i32
    %scan3A_27 = arith.addi %scan3A_25, %scan3A_26 : i32
    %scan3A_28 = arith.constant 1 : i32
    %scan3A_29 = scf.for %scan3A_252 = %scan3A_25 to %scan3A_27 step %scan3A_28 iter_args(%scan3A_253 = %scan3A) -> (i32)  : i32 {
      %mul3A_254 = arith.constant 128 : i32
      %mul3A_255 = arith.muli %scan3A_252, %mul3A_254 : i32
      %mul3A_256 = arith.constant 128 : i32
      %mul3A_257 = arith.muli %scan3A_252, %mul3A_256 : i32
      %dma_start3A_258 = tpu.memref_slice %arg7[%mul3A_257] : memref<8192xf32, #tpu.memory_space<vmem>> -> memref<100xf32, #tpu.memory_space<vmem>>
      %dma_start3A_259 = tpu.memref_slice %arg5[%mul3A_255] : memref<8192xi32, #tpu.memory_space<vmem>> -> memref<100xi32, #tpu.memory_space<vmem>>
      %dma_start3A_260 = arith.constant 0 : i32
      %dma_start3A_261 = tpu.memref_slice %arg10[%dma_start3A_260] : memref<1000000xf32, #tpu.memory_space<vmem_shared>> -> memref<1000000xf32, #tpu.memory_space<vmem_shared>>
      tpu.enqueue_indirect_dma source(%dma_start3A_261 : memref<1000000xf32, #tpu.memory_space<vmem_shared>>) target(%dma_start3A_258 : memref<100xf32, #tpu.memory_space<vmem>>) offsets(%dma_start3A_259 : memref<100xi32, #tpu.memory_space<vmem>>) semaphore(%arg11 : memref<!tpu.dma_semaphore, #tpu.memory_space<semaphore_mem>>)
      %ge3A = arith.constant 16 : i32
      %ge3A_262 = arith.cmpi sge, %scan3A_252, %ge3A : i32
      %convert_element_type3A_263 = arith.extui %ge3A_262 : i1 to i32
      %cond3A_264 = arith.constant 0 : i32
      %cond3A_265 = arith.cmpi ne, %convert_element_type3A_263, %cond3A_264 : i32
      scf.if %cond3A_265 {
        %sub3A = arith.constant 16 : i32
        %sub3A_267 = arith.subi %scan3A_252, %sub3A : i32
        %mul3A_268 = arith.constant 128 : i32
        %mul3A_269 = arith.muli %sub3A_267, %mul3A_268 : i32
        %mul3A_270 = arith.constant 128 : i32
        %mul3A_271 = arith.muli %sub3A_267, %mul3A_270 : i32
        %dma_wait3A_272 = tpu.memref_slice %arg7[%mul3A_271] : memref<8192xf32, #tpu.memory_space<vmem>> -> memref<100xf32, #tpu.memory_space<vmem>>
        %dma_wait3A_273 = tpu.memref_slice %arg5[%mul3A_269] : memref<8192xi32, #tpu.memory_space<vmem>> -> memref<100xi32, #tpu.memory_space<vmem>>
        %dma_wait3A_274 = arith.constant 0 : i32
        %dma_wait3A_275 = tpu.memref_slice %arg10[%dma_wait3A_274] : memref<1000000xf32, #tpu.memory_space<vmem_shared>> -> memref<1000000xf32, #tpu.memory_space<vmem_shared>>
        tpu.wait_indirect_dma semaphore(%arg11 : memref<!tpu.dma_semaphore, #tpu.memory_space<semaphore_mem>>) src(%dma_wait3A_275 : memref<1000000xf32, #tpu.memory_space<vmem_shared>>) dst(%dma_wait3A_272 : memref<100xf32, #tpu.memory_space<vmem>>)
      } else {
      }
      %scan3A_266 = arith.constant 0 : i32
      scf.yield %scan3A_266 : i32
    }
    %scan3A_30 = arith.constant 64 : i32
    %scan3A_31 = arith.constant 0 : i32
    %scan3A_32 = arith.constant 0 : i32
    %scan3A_33 = arith.constant 16 : i32
    %scan3A_34 = arith.addi %scan3A_32, %scan3A_33 : i32
    %scan3A_35 = arith.constant 1 : i32
    %scan3A_36 = scf.for %scan3A_252 = %scan3A_32 to %scan3A_34 step %scan3A_35 iter_args(%scan3A_253 = %scan3A_31) -> (i32)  : i32 {
      %add3A_254 = arith.constant 48 : i32
      %add3A_255 = arith.addi %add3A_254, %scan3A_252 : i32
      %mul3A_256 = arith.constant 128 : i32
      %mul3A_257 = arith.muli %add3A_255, %mul3A_256 : i32
      %mul3A_258 = arith.constant 128 : i32
      %mul3A_259 = arith.muli %add3A_255, %mul3A_258 : i32
      %dma_wait3A_260 = tpu.memref_slice %arg7[%mul3A_259] : memref<8192xf32, #tpu.memory_space<vmem>> -> memref<100xf32, #tpu.memory_space<vmem>>
      %dma_wait3A_261 = tpu.memref_slice %arg5[%mul3A_257] : memref<8192xi32, #tpu.memory_space<vmem>> -> memref<100xi32, #tpu.memory_space<vmem>>
      %dma_wait3A_262 = arith.constant 0 : i32
      %dma_wait3A_263 = tpu.memref_slice %arg10[%dma_wait3A_262] : memref<1000000xf32, #tpu.memory_space<vmem_shared>> -> memref<1000000xf32, #tpu.memory_space<vmem_shared>>
      tpu.wait_indirect_dma semaphore(%arg11 : memref<!tpu.dma_semaphore, #tpu.memory_space<semaphore_mem>>) src(%dma_wait3A_263 : memref<1000000xf32, #tpu.memory_space<vmem_shared>>) dst(%dma_wait3A_260 : memref<100xf32, #tpu.memory_space<vmem>>)
      %scan3A_264 = arith.constant 0 : i32
      scf.yield %scan3A_264 : i32
    }
    %scan3A_37 = arith.constant 16 : i32
    %add3A_38 = arith.constant 0 : i32
    %add3A_39 = arith.addi %mul3A_2, %add3A_38 : i32
    %dma_start3A_40 = tpu.memref_slice %arg4[%add3A_39] : memref<2097152xf32, #tpu.memory_space<hbm>> -> memref<8192xf32, #tpu.memory_space<hbm>>
    %dma_start3A_41 = tpu.memref_slice %arg4[%add3A_39] : memref<2097152xf32, #tpu.memory_space<hbm>> -> memref<8192xf32, #tpu.memory_space<hbm>>
    tpu.enqueue_dma source(%arg7 : memref<8192xf32, #tpu.memory_space<vmem>>) target(%dma_start3A_41 : memref<8192xf32, #tpu.memory_space<hbm>>) target_semaphore(%arg13 : memref<!tpu.dma_semaphore, #tpu.memory_space<semaphore_mem>>)
    %add3A_42 = arith.constant 16384 : i32
    %add3A_43 = arith.addi %mul3A_2, %add3A_42 : i32
    %dma_start3A_44 = tpu.memref_slice %arg3[%add3A_43] : memref<2097152xi32, #tpu.memory_space<hbm>> -> memref<8192xi32, #tpu.memory_space<hbm>>
    %dma_start3A_45 = tpu.memref_slice %arg3[%add3A_43] : memref<2097152xi32, #tpu.memory_space<hbm>> -> memref<8192xi32, #tpu.memory_space<hbm>>
    tpu.enqueue_dma source(%dma_start3A_45 : memref<8192xi32, #tpu.memory_space<hbm>>) target(%arg5 : memref<8192xi32, #tpu.memory_space<vmem>>) target_semaphore(%arg12 : memref<!tpu.dma_semaphore, #tpu.memory_space<semaphore_mem>>)
    %add3A_46 = arith.constant 8192 : i32
    %add3A_47 = arith.addi %mul3A_2, %add3A_46 : i32
    %dma_wait3A_48 = tpu.memref_slice %arg3[%add3A_47] : memref<2097152xi32, #tpu.memory_space<hbm>> -> memref<8192xi32, #tpu.memory_space<hbm>>
    %dma_wait3A_49 = tpu.memref_slice %arg3[%add3A_47] : memref<2097152xi32, #tpu.memory_space<hbm>> -> memref<8192xi32, #tpu.memory_space<hbm>>
    tpu.wait_dma2 semaphore(%arg12 : memref<!tpu.dma_semaphore, #tpu.memory_space<semaphore_mem>>) src(%dma_wait3A_49 : memref<8192xi32, #tpu.memory_space<hbm>>) dst(%arg6 : memref<8192xi32, #tpu.memory_space<vmem>>)
    %scan3A_50 = arith.constant 0 : i32
    %scan3A_51 = arith.constant 0 : i32
    %scan3A_52 = arith.constant 64 : i32
    %scan3A_53 = arith.addi %scan3A_51, %scan3A_52 : i32
    %scan3A_54 = arith.constant 1 : i32
    %scan3A_55 = scf.for %scan3A_252 = %scan3A_51 to %scan3A_53 step %scan3A_54 iter_args(%scan3A_253 = %scan3A_50) -> (i32)  : i32 {
      %mul3A_254 = arith.constant 128 : i32
      %mul3A_255 = arith.muli %scan3A_252, %mul3A_254 : i32
      %mul3A_256 = arith.constant 128 : i32
      %mul3A_257 = arith.muli %scan3A_252, %mul3A_256 : i32
      %dma_start3A_258 = tpu.memref_slice %arg8[%mul3A_257] : memref<8192xf32, #tpu.memory_space<vmem>> -> memref<100xf32, #tpu.memory_space<vmem>>
      %dma_start3A_259 = tpu.memref_slice %arg6[%mul3A_255] : memref<8192xi32, #tpu.memory_space<vmem>> -> memref<100xi32, #tpu.memory_space<vmem>>
      %dma_start3A_260 = arith.constant 0 : i32
      %dma_start3A_261 = tpu.memref_slice %arg10[%dma_start3A_260] : memref<1000000xf32, #tpu.memory_space<vmem_shared>> -> memref<1000000xf32, #tpu.memory_space<vmem_shared>>
      tpu.enqueue_indirect_dma source(%dma_start3A_261 : memref<1000000xf32, #tpu.memory_space<vmem_shared>>) target(%dma_start3A_258 : memref<100xf32, #tpu.memory_space<vmem>>) offsets(%dma_start3A_259 : memref<100xi32, #tpu.memory_space<vmem>>) semaphore(%arg11 : memref<!tpu.dma_semaphore, #tpu.memory_space<semaphore_mem>>)
      %ge3A = arith.constant 16 : i32
      %ge3A_262 = arith.cmpi sge, %scan3A_252, %ge3A : i32
      %convert_element_type3A_263 = arith.extui %ge3A_262 : i1 to i32
      %cond3A_264 = arith.constant 0 : i32
      %cond3A_265 = arith.cmpi ne, %convert_element_type3A_263, %cond3A_264 : i32
      scf.if %cond3A_265 {
        %sub3A = arith.constant 16 : i32
        %sub3A_267 = arith.subi %scan3A_252, %sub3A : i32
        %mul3A_268 = arith.constant 128 : i32
        %mul3A_269 = arith.muli %sub3A_267, %mul3A_268 : i32
        %mul3A_270 = arith.constant 128 : i32
        %mul3A_271 = arith.muli %sub3A_267, %mul3A_270 : i32
        %dma_wait3A_272 = tpu.memref_slice %arg8[%mul3A_271] : memref<8192xf32, #tpu.memory_space<vmem>> -> memref<100xf32, #tpu.memory_space<vmem>>
        %dma_wait3A_273 = tpu.memref_slice %arg6[%mul3A_269] : memref<8192xi32, #tpu.memory_space<vmem>> -> memref<100xi32, #tpu.memory_space<vmem>>
        %dma_wait3A_274 = arith.constant 0 : i32
        %dma_wait3A_275 = tpu.memref_slice %arg10[%dma_wait3A_274] : memref<1000000xf32, #tpu.memory_space<vmem_shared>> -> memref<1000000xf32, #tpu.memory_space<vmem_shared>>
        tpu.wait_indirect_dma semaphore(%arg11 : memref<!tpu.dma_semaphore, #tpu.memory_space<semaphore_mem>>) src(%dma_wait3A_275 : memref<1000000xf32, #tpu.memory_space<vmem_shared>>) dst(%dma_wait3A_272 : memref<100xf32, #tpu.memory_space<vmem>>)
      } else {
      }
      %scan3A_266 = arith.constant 0 : i32
      scf.yield %scan3A_266 : i32
    }
    %scan3A_56 = arith.constant 64 : i32
    %scan3A_57 = arith.constant 0 : i32
    %scan3A_58 = arith.constant 0 : i32
    %scan3A_59 = arith.constant 16 : i32
    %scan3A_60 = arith.addi %scan3A_58, %scan3A_59 : i32
    %scan3A_61 = arith.constant 1 : i32
    %scan3A_62 = scf.for %scan3A_252 = %scan3A_58 to %scan3A_60 step %scan3A_61 iter_args(%scan3A_253 = %scan3A_57) -> (i32)  : i32 {
      %add3A_254 = arith.constant 48 : i32
      %add3A_255 = arith.addi %add3A_254, %scan3A_252 : i32
      %mul3A_256 = arith.constant 128 : i32
      %mul3A_257 = arith.muli %add3A_255, %mul3A_256 : i32
      %mul3A_258 = arith.constant 128 : i32
      %mul3A_259 = arith.muli %add3A_255, %mul3A_258 : i32
      %dma_wait3A_260 = tpu.memref_slice %arg8[%mul3A_259] : memref<8192xf32, #tpu.memory_space<vmem>> -> memref<100xf32, #tpu.memory_space<vmem>>
      %dma_wait3A_261 = tpu.memref_slice %arg6[%mul3A_257] : memref<8192xi32, #tpu.memory_space<vmem>> -> memref<100xi32, #tpu.memory_space<vmem>>
      %dma_wait3A_262 = arith.constant 0 : i32
      %dma_wait3A_263 = tpu.memref_slice %arg10[%dma_wait3A_262] : memref<1000000xf32, #tpu.memory_space<vmem_shared>> -> memref<1000000xf32, #tpu.memory_space<vmem_shared>>
      tpu.wait_indirect_dma semaphore(%arg11 : memref<!tpu.dma_semaphore, #tpu.memory_space<semaphore_mem>>) src(%dma_wait3A_263 : memref<1000000xf32, #tpu.memory_space<vmem_shared>>) dst(%dma_wait3A_260 : memref<100xf32, #tpu.memory_space<vmem>>)
      %scan3A_264 = arith.constant 0 : i32
      scf.yield %scan3A_264 : i32
    }
    %scan3A_63 = arith.constant 16 : i32
    %add3A_64 = arith.constant 8192 : i32
    %add3A_65 = arith.addi %mul3A_2, %add3A_64 : i32
    %dma_start3A_66 = tpu.memref_slice %arg4[%add3A_65] : memref<2097152xf32, #tpu.memory_space<hbm>> -> memref<8192xf32, #tpu.memory_space<hbm>>
    %dma_start3A_67 = tpu.memref_slice %arg4[%add3A_65] : memref<2097152xf32, #tpu.memory_space<hbm>> -> memref<8192xf32, #tpu.memory_space<hbm>>
    tpu.enqueue_dma source(%arg8 : memref<8192xf32, #tpu.memory_space<vmem>>) target(%dma_start3A_67 : memref<8192xf32, #tpu.memory_space<hbm>>) target_semaphore(%arg13 : memref<!tpu.dma_semaphore, #tpu.memory_space<semaphore_mem>>)
    %add3A_68 = arith.constant 24576 : i32
    %add3A_69 = arith.addi %mul3A_2, %add3A_68 : i32
    %dma_start3A_70 = tpu.memref_slice %arg3[%add3A_69] : memref<2097152xi32, #tpu.memory_space<hbm>> -> memref<8192xi32, #tpu.memory_space<hbm>>
    %dma_start3A_71 = tpu.memref_slice %arg3[%add3A_69] : memref<2097152xi32, #tpu.memory_space<hbm>> -> memref<8192xi32, #tpu.memory_space<hbm>>
    tpu.enqueue_dma source(%dma_start3A_71 : memref<8192xi32, #tpu.memory_space<hbm>>) target(%arg6 : memref<8192xi32, #tpu.memory_space<vmem>>) target_semaphore(%arg12 : memref<!tpu.dma_semaphore, #tpu.memory_space<semaphore_mem>>)
    %add3A_72 = arith.constant 16384 : i32
    %add3A_73 = arith.addi %mul3A_2, %add3A_72 : i32
    %dma_wait3A_74 = tpu.memref_slice %arg3[%add3A_73] : memref<2097152xi32, #tpu.memory_space<hbm>> -> memref<8192xi32, #tpu.memory_space<hbm>>
    %dma_wait3A_75 = tpu.memref_slice %arg3[%add3A_73] : memref<2097152xi32, #tpu.memory_space<hbm>> -> memref<8192xi32, #tpu.memory_space<hbm>>
    tpu.wait_dma2 semaphore(%arg12 : memref<!tpu.dma_semaphore, #tpu.memory_space<semaphore_mem>>) src(%dma_wait3A_75 : memref<8192xi32, #tpu.memory_space<hbm>>) dst(%arg5 : memref<8192xi32, #tpu.memory_space<vmem>>)
    %add3A_76 = arith.constant 0 : i32
    %add3A_77 = arith.addi %mul3A_2, %add3A_76 : i32
    %dma_wait3A_78 = tpu.memref_slice %arg4[%add3A_77] : memref<2097152xf32, #tpu.memory_space<hbm>> -> memref<8192xf32, #tpu.memory_space<hbm>>
    %dma_wait3A_79 = tpu.memref_slice %arg4[%add3A_77] : memref<2097152xf32, #tpu.memory_space<hbm>> -> memref<8192xf32, #tpu.memory_space<hbm>>
    tpu.wait_dma2 semaphore(%arg13 : memref<!tpu.dma_semaphore, #tpu.memory_space<semaphore_mem>>) src(%arg7 : memref<8192xf32, #tpu.memory_space<vmem>>) dst(%dma_wait3A_79 : memref<8192xf32, #tpu.memory_space<hbm>>)
    %scan3A_80 = arith.constant 0 : i32
    %scan3A_81 = arith.constant 0 : i32
    %scan3A_82 = arith.constant 64 : i32
    %scan3A_83 = arith.addi %scan3A_81, %scan3A_82 : i32
    %scan3A_84 = arith.constant 1 : i32
    %scan3A_85 = scf.for %scan3A_252 = %scan3A_81 to %scan3A_83 step %scan3A_84 iter_args(%scan3A_253 = %scan3A_80) -> (i32)  : i32 {
      %mul3A_254 = arith.constant 128 : i32
      %mul3A_255 = arith.muli %scan3A_252, %mul3A_254 : i32
      %mul3A_256 = arith.constant 128 : i32
      %mul3A_257 = arith.muli %scan3A_252, %mul3A_256 : i32
      %dma_start3A_258 = tpu.memref_slice %arg7[%mul3A_257] : memref<8192xf32, #tpu.memory_space<vmem>> -> memref<100xf32, #tpu.memory_space<vmem>>
      %dma_start3A_259 = tpu.memref_slice %arg5[%mul3A_255] : memref<8192xi32, #tpu.memory_space<vmem>> -> memref<100xi32, #tpu.memory_space<vmem>>
      %dma_start3A_260 = arith.constant 0 : i32
      %dma_start3A_261 = tpu.memref_slice %arg10[%dma_start3A_260] : memref<1000000xf32, #tpu.memory_space<vmem_shared>> -> memref<1000000xf32, #tpu.memory_space<vmem_shared>>
      tpu.enqueue_indirect_dma source(%dma_start3A_261 : memref<1000000xf32, #tpu.memory_space<vmem_shared>>) target(%dma_start3A_258 : memref<100xf32, #tpu.memory_space<vmem>>) offsets(%dma_start3A_259 : memref<100xi32, #tpu.memory_space<vmem>>) semaphore(%arg11 : memref<!tpu.dma_semaphore, #tpu.memory_space<semaphore_mem>>)
      %ge3A = arith.constant 16 : i32
      %ge3A_262 = arith.cmpi sge, %scan3A_252, %ge3A : i32
      %convert_element_type3A_263 = arith.extui %ge3A_262 : i1 to i32
      %cond3A_264 = arith.constant 0 : i32
      %cond3A_265 = arith.cmpi ne, %convert_element_type3A_263, %cond3A_264 : i32
      scf.if %cond3A_265 {
        %sub3A = arith.constant 16 : i32
        %sub3A_267 = arith.subi %scan3A_252, %sub3A : i32
        %mul3A_268 = arith.constant 128 : i32
        %mul3A_269 = arith.muli %sub3A_267, %mul3A_268 : i32
        %mul3A_270 = arith.constant 128 : i32
        %mul3A_271 = arith.muli %sub3A_267, %mul3A_270 : i32
        %dma_wait3A_272 = tpu.memref_slice %arg7[%mul3A_271] : memref<8192xf32, #tpu.memory_space<vmem>> -> memref<100xf32, #tpu.memory_space<vmem>>
        %dma_wait3A_273 = tpu.memref_slice %arg5[%mul3A_269] : memref<8192xi32, #tpu.memory_space<vmem>> -> memref<100xi32, #tpu.memory_space<vmem>>
        %dma_wait3A_274 = arith.constant 0 : i32
        %dma_wait3A_275 = tpu.memref_slice %arg10[%dma_wait3A_274] : memref<1000000xf32, #tpu.memory_space<vmem_shared>> -> memref<1000000xf32, #tpu.memory_space<vmem_shared>>
        tpu.wait_indirect_dma semaphore(%arg11 : memref<!tpu.dma_semaphore, #tpu.memory_space<semaphore_mem>>) src(%dma_wait3A_275 : memref<1000000xf32, #tpu.memory_space<vmem_shared>>) dst(%dma_wait3A_272 : memref<100xf32, #tpu.memory_space<vmem>>)
      } else {
      }
      %scan3A_266 = arith.constant 0 : i32
      scf.yield %scan3A_266 : i32
    }
    %scan3A_86 = arith.constant 64 : i32
    %scan3A_87 = arith.constant 0 : i32
    %scan3A_88 = arith.constant 0 : i32
    %scan3A_89 = arith.constant 16 : i32
    %scan3A_90 = arith.addi %scan3A_88, %scan3A_89 : i32
    %scan3A_91 = arith.constant 1 : i32
    %scan3A_92 = scf.for %scan3A_252 = %scan3A_88 to %scan3A_90 step %scan3A_91 iter_args(%scan3A_253 = %scan3A_87) -> (i32)  : i32 {
      %add3A_254 = arith.constant 48 : i32
      %add3A_255 = arith.addi %add3A_254, %scan3A_252 : i32
      %mul3A_256 = arith.constant 128 : i32
      %mul3A_257 = arith.muli %add3A_255, %mul3A_256 : i32
      %mul3A_258 = arith.constant 128 : i32
      %mul3A_259 = arith.muli %add3A_255, %mul3A_258 : i32
      %dma_wait3A_260 = tpu.memref_slice %arg7[%mul3A_259] : memref<8192xf32, #tpu.memory_space<vmem>> -> memref<100xf32, #tpu.memory_space<vmem>>
      %dma_wait3A_261 = tpu.memref_slice %arg5[%mul3A_257] : memref<8192xi32, #tpu.memory_space<vmem>> -> memref<100xi32, #tpu.memory_space<vmem>>
      %dma_wait3A_262 = arith.constant 0 : i32
      %dma_wait3A_263 = tpu.memref_slice %arg10[%dma_wait3A_262] : memref<1000000xf32, #tpu.memory_space<vmem_shared>> -> memref<1000000xf32, #tpu.memory_space<vmem_shared>>
      tpu.wait_indirect_dma semaphore(%arg11 : memref<!tpu.dma_semaphore, #tpu.memory_space<semaphore_mem>>) src(%dma_wait3A_263 : memref<1000000xf32, #tpu.memory_space<vmem_shared>>) dst(%dma_wait3A_260 : memref<100xf32, #tpu.memory_space<vmem>>)
      %scan3A_264 = arith.constant 0 : i32
      scf.yield %scan3A_264 : i32
    }
    %scan3A_93 = arith.constant 16 : i32
    %add3A_94 = arith.constant 16384 : i32
    %add3A_95 = arith.addi %mul3A_2, %add3A_94 : i32
    %dma_start3A_96 = tpu.memref_slice %arg4[%add3A_95] : memref<2097152xf32, #tpu.memory_space<hbm>> -> memref<8192xf32, #tpu.memory_space<hbm>>
    %dma_start3A_97 = tpu.memref_slice %arg4[%add3A_95] : memref<2097152xf32, #tpu.memory_space<hbm>> -> memref<8192xf32, #tpu.memory_space<hbm>>
    tpu.enqueue_dma source(%arg7 : memref<8192xf32, #tpu.memory_space<vmem>>) target(%dma_start3A_97 : memref<8192xf32, #tpu.memory_space<hbm>>) target_semaphore(%arg13 : memref<!tpu.dma_semaphore, #tpu.memory_space<semaphore_mem>>)
    %add3A_98 = arith.constant 32768 : i32
    %add3A_99 = arith.addi %mul3A_2, %add3A_98 : i32
    %dma_start3A_100 = tpu.memref_slice %arg3[%add3A_99] : memref<2097152xi32, #tpu.memory_space<hbm>> -> memref<8192xi32, #tpu.memory_space<hbm>>
    %dma_start3A_101 = tpu.memref_slice %arg3[%add3A_99] : memref<2097152xi32, #tpu.memory_space<hbm>> -> memref<8192xi32, #tpu.memory_space<hbm>>
    tpu.enqueue_dma source(%dma_start3A_101 : memref<8192xi32, #tpu.memory_space<hbm>>) target(%arg5 : memref<8192xi32, #tpu.memory_space<vmem>>) target_semaphore(%arg12 : memref<!tpu.dma_semaphore, #tpu.memory_space<semaphore_mem>>)
    %add3A_102 = arith.constant 24576 : i32
    %add3A_103 = arith.addi %mul3A_2, %add3A_102 : i32
    %dma_wait3A_104 = tpu.memref_slice %arg3[%add3A_103] : memref<2097152xi32, #tpu.memory_space<hbm>> -> memref<8192xi32, #tpu.memory_space<hbm>>
    %dma_wait3A_105 = tpu.memref_slice %arg3[%add3A_103] : memref<2097152xi32, #tpu.memory_space<hbm>> -> memref<8192xi32, #tpu.memory_space<hbm>>
    tpu.wait_dma2 semaphore(%arg12 : memref<!tpu.dma_semaphore, #tpu.memory_space<semaphore_mem>>) src(%dma_wait3A_105 : memref<8192xi32, #tpu.memory_space<hbm>>) dst(%arg6 : memref<8192xi32, #tpu.memory_space<vmem>>)
    %add3A_106 = arith.constant 8192 : i32
    %add3A_107 = arith.addi %mul3A_2, %add3A_106 : i32
    %dma_wait3A_108 = tpu.memref_slice %arg4[%add3A_107] : memref<2097152xf32, #tpu.memory_space<hbm>> -> memref<8192xf32, #tpu.memory_space<hbm>>
    %dma_wait3A_109 = tpu.memref_slice %arg4[%add3A_107] : memref<2097152xf32, #tpu.memory_space<hbm>> -> memref<8192xf32, #tpu.memory_space<hbm>>
    tpu.wait_dma2 semaphore(%arg13 : memref<!tpu.dma_semaphore, #tpu.memory_space<semaphore_mem>>) src(%arg8 : memref<8192xf32, #tpu.memory_space<vmem>>) dst(%dma_wait3A_109 : memref<8192xf32, #tpu.memory_space<hbm>>)
    %scan3A_110 = arith.constant 0 : i32
    %scan3A_111 = arith.constant 0 : i32
    %scan3A_112 = arith.constant 64 : i32
    %scan3A_113 = arith.addi %scan3A_111, %scan3A_112 : i32
    %scan3A_114 = arith.constant 1 : i32
    %scan3A_115 = scf.for %scan3A_252 = %scan3A_111 to %scan3A_113 step %scan3A_114 iter_args(%scan3A_253 = %scan3A_110) -> (i32)  : i32 {
      %mul3A_254 = arith.constant 128 : i32
      %mul3A_255 = arith.muli %scan3A_252, %mul3A_254 : i32
      %mul3A_256 = arith.constant 128 : i32
      %mul3A_257 = arith.muli %scan3A_252, %mul3A_256 : i32
      %dma_start3A_258 = tpu.memref_slice %arg8[%mul3A_257] : memref<8192xf32, #tpu.memory_space<vmem>> -> memref<100xf32, #tpu.memory_space<vmem>>
      %dma_start3A_259 = tpu.memref_slice %arg6[%mul3A_255] : memref<8192xi32, #tpu.memory_space<vmem>> -> memref<100xi32, #tpu.memory_space<vmem>>
      %dma_start3A_260 = arith.constant 0 : i32
      %dma_start3A_261 = tpu.memref_slice %arg10[%dma_start3A_260] : memref<1000000xf32, #tpu.memory_space<vmem_shared>> -> memref<1000000xf32, #tpu.memory_space<vmem_shared>>
      tpu.enqueue_indirect_dma source(%dma_start3A_261 : memref<1000000xf32, #tpu.memory_space<vmem_shared>>) target(%dma_start3A_258 : memref<100xf32, #tpu.memory_space<vmem>>) offsets(%dma_start3A_259 : memref<100xi32, #tpu.memory_space<vmem>>) semaphore(%arg11 : memref<!tpu.dma_semaphore, #tpu.memory_space<semaphore_mem>>)
      %ge3A = arith.constant 16 : i32
      %ge3A_262 = arith.cmpi sge, %scan3A_252, %ge3A : i32
      %convert_element_type3A_263 = arith.extui %ge3A_262 : i1 to i32
      %cond3A_264 = arith.constant 0 : i32
      %cond3A_265 = arith.cmpi ne, %convert_element_type3A_263, %cond3A_264 : i32
      scf.if %cond3A_265 {
        %sub3A = arith.constant 16 : i32
        %sub3A_267 = arith.subi %scan3A_252, %sub3A : i32
        %mul3A_268 = arith.constant 128 : i32
        %mul3A_269 = arith.muli %sub3A_267, %mul3A_268 : i32
        %mul3A_270 = arith.constant 128 : i32
        %mul3A_271 = arith.muli %sub3A_267, %mul3A_270 : i32
        %dma_wait3A_272 = tpu.memref_slice %arg8[%mul3A_271] : memref<8192xf32, #tpu.memory_space<vmem>> -> memref<100xf32, #tpu.memory_space<vmem>>
        %dma_wait3A_273 = tpu.memref_slice %arg6[%mul3A_269] : memref<8192xi32, #tpu.memory_space<vmem>> -> memref<100xi32, #tpu.memory_space<vmem>>
        %dma_wait3A_274 = arith.constant 0 : i32
        %dma_wait3A_275 = tpu.memref_slice %arg10[%dma_wait3A_274] : memref<1000000xf32, #tpu.memory_space<vmem_shared>> -> memref<1000000xf32, #tpu.memory_space<vmem_shared>>
        tpu.wait_indirect_dma semaphore(%arg11 : memref<!tpu.dma_semaphore, #tpu.memory_space<semaphore_mem>>) src(%dma_wait3A_275 : memref<1000000xf32, #tpu.memory_space<vmem_shared>>) dst(%dma_wait3A_272 : memref<100xf32, #tpu.memory_space<vmem>>)
      } else {
      }
      %scan3A_266 = arith.constant 0 : i32
      scf.yield %scan3A_266 : i32
    }
    %scan3A_116 = arith.constant 64 : i32
    %scan3A_117 = arith.constant 0 : i32
    %scan3A_118 = arith.constant 0 : i32
    %scan3A_119 = arith.constant 16 : i32
    %scan3A_120 = arith.addi %scan3A_118, %scan3A_119 : i32
    %scan3A_121 = arith.constant 1 : i32
    %scan3A_122 = scf.for %scan3A_252 = %scan3A_118 to %scan3A_120 step %scan3A_121 iter_args(%scan3A_253 = %scan3A_117) -> (i32)  : i32 {
      %add3A_254 = arith.constant 48 : i32
      %add3A_255 = arith.addi %add3A_254, %scan3A_252 : i32
      %mul3A_256 = arith.constant 128 : i32
      %mul3A_257 = arith.muli %add3A_255, %mul3A_256 : i32
      %mul3A_258 = arith.constant 128 : i32
      %mul3A_259 = arith.muli %add3A_255, %mul3A_258 : i32
      %dma_wait3A_260 = tpu.memref_slice %arg8[%mul3A_259] : memref<8192xf32, #tpu.memory_space<vmem>> -> memref<100xf32, #tpu.memory_space<vmem>>
      %dma_wait3A_261 = tpu.memref_slice %arg6[%mul3A_257] : memref<8192xi32, #tpu.memory_space<vmem>> -> memref<100xi32, #tpu.memory_space<vmem>>
      %dma_wait3A_262 = arith.constant 0 : i32
      %dma_wait3A_263 = tpu.memref_slice %arg10[%dma_wait3A_262] : memref<1000000xf32, #tpu.memory_space<vmem_shared>> -> memref<1000000xf32, #tpu.memory_space<vmem_shared>>
      tpu.wait_indirect_dma semaphore(%arg11 : memref<!tpu.dma_semaphore, #tpu.memory_space<semaphore_mem>>) src(%dma_wait3A_263 : memref<1000000xf32, #tpu.memory_space<vmem_shared>>) dst(%dma_wait3A_260 : memref<100xf32, #tpu.memory_space<vmem>>)
      %scan3A_264 = arith.constant 0 : i32
      scf.yield %scan3A_264 : i32
    }
    %scan3A_123 = arith.constant 16 : i32
    %add3A_124 = arith.constant 24576 : i32
    %add3A_125 = arith.addi %mul3A_2, %add3A_124 : i32
    %dma_start3A_126 = tpu.memref_slice %arg4[%add3A_125] : memref<2097152xf32, #tpu.memory_space<hbm>> -> memref<8192xf32, #tpu.memory_space<hbm>>
    %dma_start3A_127 = tpu.memref_slice %arg4[%add3A_125] : memref<2097152xf32, #tpu.memory_space<hbm>> -> memref<8192xf32, #tpu.memory_space<hbm>>
    tpu.enqueue_dma source(%arg8 : memref<8192xf32, #tpu.memory_space<vmem>>) target(%dma_start3A_127 : memref<8192xf32, #tpu.memory_space<hbm>>) target_semaphore(%arg13 : memref<!tpu.dma_semaphore, #tpu.memory_space<semaphore_mem>>)
    %add3A_128 = arith.constant 40960 : i32
    %add3A_129 = arith.addi %mul3A_2, %add3A_128 : i32
    %dma_start3A_130 = tpu.memref_slice %arg3[%add3A_129] : memref<2097152xi32, #tpu.memory_space<hbm>> -> memref<8192xi32, #tpu.memory_space<hbm>>
    %dma_start3A_131 = tpu.memref_slice %arg3[%add3A_129] : memref<2097152xi32, #tpu.memory_space<hbm>> -> memref<8192xi32, #tpu.memory_space<hbm>>
    tpu.enqueue_dma source(%dma_start3A_131 : memref<8192xi32, #tpu.memory_space<hbm>>) target(%arg6 : memref<8192xi32, #tpu.memory_space<vmem>>) target_semaphore(%arg12 : memref<!tpu.dma_semaphore, #tpu.memory_space<semaphore_mem>>)
    %add3A_132 = arith.constant 32768 : i32
    %add3A_133 = arith.addi %mul3A_2, %add3A_132 : i32
    %dma_wait3A_134 = tpu.memref_slice %arg3[%add3A_133] : memref<2097152xi32, #tpu.memory_space<hbm>> -> memref<8192xi32, #tpu.memory_space<hbm>>
    %dma_wait3A_135 = tpu.memref_slice %arg3[%add3A_133] : memref<2097152xi32, #tpu.memory_space<hbm>> -> memref<8192xi32, #tpu.memory_space<hbm>>
    tpu.wait_dma2 semaphore(%arg12 : memref<!tpu.dma_semaphore, #tpu.memory_space<semaphore_mem>>) src(%dma_wait3A_135 : memref<8192xi32, #tpu.memory_space<hbm>>) dst(%arg5 : memref<8192xi32, #tpu.memory_space<vmem>>)
    %add3A_136 = arith.constant 16384 : i32
    %add3A_137 = arith.addi %mul3A_2, %add3A_136 : i32
    %dma_wait3A_138 = tpu.memref_slice %arg4[%add3A_137] : memref<2097152xf32, #tpu.memory_space<hbm>> -> memref<8192xf32, #tpu.memory_space<hbm>>
    %dma_wait3A_139 = tpu.memref_slice %arg4[%add3A_137] : memref<2097152xf32, #tpu.memory_space<hbm>> -> memref<8192xf32, #tpu.memory_space<hbm>>
    tpu.wait_dma2 semaphore(%arg13 : memref<!tpu.dma_semaphore, #tpu.memory_space<semaphore_mem>>) src(%arg7 : memref<8192xf32, #tpu.memory_space<vmem>>) dst(%dma_wait3A_139 : memref<8192xf32, #tpu.memory_space<hbm>>)
    %scan3A_140 = arith.constant 0 : i32
    %scan3A_141 = arith.constant 0 : i32
    %scan3A_142 = arith.constant 64 : i32
    %scan3A_143 = arith.addi %scan3A_141, %scan3A_142 : i32
    %scan3A_144 = arith.constant 1 : i32
    %scan3A_145 = scf.for %scan3A_252 = %scan3A_141 to %scan3A_143 step %scan3A_144 iter_args(%scan3A_253 = %scan3A_140) -> (i32)  : i32 {
      %mul3A_254 = arith.constant 128 : i32
      %mul3A_255 = arith.muli %scan3A_252, %mul3A_254 : i32
      %mul3A_256 = arith.constant 128 : i32
      %mul3A_257 = arith.muli %scan3A_252, %mul3A_256 : i32
      %dma_start3A_258 = tpu.memref_slice %arg7[%mul3A_257] : memref<8192xf32, #tpu.memory_space<vmem>> -> memref<100xf32, #tpu.memory_space<vmem>>
      %dma_start3A_259 = tpu.memref_slice %arg5[%mul3A_255] : memref<8192xi32, #tpu.memory_space<vmem>> -> memref<100xi32, #tpu.memory_space<vmem>>
      %dma_start3A_260 = arith.constant 0 : i32
      %dma_start3A_261 = tpu.memref_slice %arg10[%dma_start3A_260] : memref<1000000xf32, #tpu.memory_space<vmem_shared>> -> memref<1000000xf32, #tpu.memory_space<vmem_shared>>
      tpu.enqueue_indirect_dma source(%dma_start3A_261 : memref<1000000xf32, #tpu.memory_space<vmem_shared>>) target(%dma_start3A_258 : memref<100xf32, #tpu.memory_space<vmem>>) offsets(%dma_start3A_259 : memref<100xi32, #tpu.memory_space<vmem>>) semaphore(%arg11 : memref<!tpu.dma_semaphore, #tpu.memory_space<semaphore_mem>>)
      %ge3A = arith.constant 16 : i32
      %ge3A_262 = arith.cmpi sge, %scan3A_252, %ge3A : i32
      %convert_element_type3A_263 = arith.extui %ge3A_262 : i1 to i32
      %cond3A_264 = arith.constant 0 : i32
      %cond3A_265 = arith.cmpi ne, %convert_element_type3A_263, %cond3A_264 : i32
      scf.if %cond3A_265 {
        %sub3A = arith.constant 16 : i32
        %sub3A_267 = arith.subi %scan3A_252, %sub3A : i32
        %mul3A_268 = arith.constant 128 : i32
        %mul3A_269 = arith.muli %sub3A_267, %mul3A_268 : i32
        %mul3A_270 = arith.constant 128 : i32
        %mul3A_271 = arith.muli %sub3A_267, %mul3A_270 : i32
        %dma_wait3A_272 = tpu.memref_slice %arg7[%mul3A_271] : memref<8192xf32, #tpu.memory_space<vmem>> -> memref<100xf32, #tpu.memory_space<vmem>>
        %dma_wait3A_273 = tpu.memref_slice %arg5[%mul3A_269] : memref<8192xi32, #tpu.memory_space<vmem>> -> memref<100xi32, #tpu.memory_space<vmem>>
        %dma_wait3A_274 = arith.constant 0 : i32
        %dma_wait3A_275 = tpu.memref_slice %arg10[%dma_wait3A_274] : memref<1000000xf32, #tpu.memory_space<vmem_shared>> -> memref<1000000xf32, #tpu.memory_space<vmem_shared>>
        tpu.wait_indirect_dma semaphore(%arg11 : memref<!tpu.dma_semaphore, #tpu.memory_space<semaphore_mem>>) src(%dma_wait3A_275 : memref<1000000xf32, #tpu.memory_space<vmem_shared>>) dst(%dma_wait3A_272 : memref<100xf32, #tpu.memory_space<vmem>>)
      } else {
      }
      %scan3A_266 = arith.constant 0 : i32
      scf.yield %scan3A_266 : i32
    }
    %scan3A_146 = arith.constant 64 : i32
    %scan3A_147 = arith.constant 0 : i32
    %scan3A_148 = arith.constant 0 : i32
    %scan3A_149 = arith.constant 16 : i32
    %scan3A_150 = arith.addi %scan3A_148, %scan3A_149 : i32
    %scan3A_151 = arith.constant 1 : i32
    %scan3A_152 = scf.for %scan3A_252 = %scan3A_148 to %scan3A_150 step %scan3A_151 iter_args(%scan3A_253 = %scan3A_147) -> (i32)  : i32 {
      %add3A_254 = arith.constant 48 : i32
      %add3A_255 = arith.addi %add3A_254, %scan3A_252 : i32
      %mul3A_256 = arith.constant 128 : i32
      %mul3A_257 = arith.muli %add3A_255, %mul3A_256 : i32
      %mul3A_258 = arith.constant 128 : i32
      %mul3A_259 = arith.muli %add3A_255, %mul3A_258 : i32
      %dma_wait3A_260 = tpu.memref_slice %arg7[%mul3A_259] : memref<8192xf32, #tpu.memory_space<vmem>> -> memref<100xf32, #tpu.memory_space<vmem>>
      %dma_wait3A_261 = tpu.memref_slice %arg5[%mul3A_257] : memref<8192xi32, #tpu.memory_space<vmem>> -> memref<100xi32, #tpu.memory_space<vmem>>
      %dma_wait3A_262 = arith.constant 0 : i32
      %dma_wait3A_263 = tpu.memref_slice %arg10[%dma_wait3A_262] : memref<1000000xf32, #tpu.memory_space<vmem_shared>> -> memref<1000000xf32, #tpu.memory_space<vmem_shared>>
      tpu.wait_indirect_dma semaphore(%arg11 : memref<!tpu.dma_semaphore, #tpu.memory_space<semaphore_mem>>) src(%dma_wait3A_263 : memref<1000000xf32, #tpu.memory_space<vmem_shared>>) dst(%dma_wait3A_260 : memref<100xf32, #tpu.memory_space<vmem>>)
      %scan3A_264 = arith.constant 0 : i32
      scf.yield %scan3A_264 : i32
    }
    %scan3A_153 = arith.constant 16 : i32
    %add3A_154 = arith.constant 32768 : i32
    %add3A_155 = arith.addi %mul3A_2, %add3A_154 : i32
    %dma_start3A_156 = tpu.memref_slice %arg4[%add3A_155] : memref<2097152xf32, #tpu.memory_space<hbm>> -> memref<8192xf32, #tpu.memory_space<hbm>>
    %dma_start3A_157 = tpu.memref_slice %arg4[%add3A_155] : memref<2097152xf32, #tpu.memory_space<hbm>> -> memref<8192xf32, #tpu.memory_space<hbm>>
    tpu.enqueue_dma source(%arg7 : memref<8192xf32, #tpu.memory_space<vmem>>) target(%dma_start3A_157 : memref<8192xf32, #tpu.memory_space<hbm>>) target_semaphore(%arg13 : memref<!tpu.dma_semaphore, #tpu.memory_space<semaphore_mem>>)
    %add3A_158 = arith.constant 49152 : i32
    %add3A_159 = arith.addi %mul3A_2, %add3A_158 : i32
    %dma_start3A_160 = tpu.memref_slice %arg3[%add3A_159] : memref<2097152xi32, #tpu.memory_space<hbm>> -> memref<8192xi32, #tpu.memory_space<hbm>>
    %dma_start3A_161 = tpu.memref_slice %arg3[%add3A_159] : memref<2097152xi32, #tpu.memory_space<hbm>> -> memref<8192xi32, #tpu.memory_space<hbm>>
    tpu.enqueue_dma source(%dma_start3A_161 : memref<8192xi32, #tpu.memory_space<hbm>>) target(%arg5 : memref<8192xi32, #tpu.memory_space<vmem>>) target_semaphore(%arg12 : memref<!tpu.dma_semaphore, #tpu.memory_space<semaphore_mem>>)
    %add3A_162 = arith.constant 40960 : i32
    %add3A_163 = arith.addi %mul3A_2, %add3A_162 : i32
    %dma_wait3A_164 = tpu.memref_slice %arg3[%add3A_163] : memref<2097152xi32, #tpu.memory_space<hbm>> -> memref<8192xi32, #tpu.memory_space<hbm>>
    %dma_wait3A_165 = tpu.memref_slice %arg3[%add3A_163] : memref<2097152xi32, #tpu.memory_space<hbm>> -> memref<8192xi32, #tpu.memory_space<hbm>>
    tpu.wait_dma2 semaphore(%arg12 : memref<!tpu.dma_semaphore, #tpu.memory_space<semaphore_mem>>) src(%dma_wait3A_165 : memref<8192xi32, #tpu.memory_space<hbm>>) dst(%arg6 : memref<8192xi32, #tpu.memory_space<vmem>>)
    %add3A_166 = arith.constant 24576 : i32
    %add3A_167 = arith.addi %mul3A_2, %add3A_166 : i32
    %dma_wait3A_168 = tpu.memref_slice %arg4[%add3A_167] : memref<2097152xf32, #tpu.memory_space<hbm>> -> memref<8192xf32, #tpu.memory_space<hbm>>
    %dma_wait3A_169 = tpu.memref_slice %arg4[%add3A_167] : memref<2097152xf32, #tpu.memory_space<hbm>> -> memref<8192xf32, #tpu.memory_space<hbm>>
    tpu.wait_dma2 semaphore(%arg13 : memref<!tpu.dma_semaphore, #tpu.memory_space<semaphore_mem>>) src(%arg8 : memref<8192xf32, #tpu.memory_space<vmem>>) dst(%dma_wait3A_169 : memref<8192xf32, #tpu.memory_space<hbm>>)
    %scan3A_170 = arith.constant 0 : i32
    %scan3A_171 = arith.constant 0 : i32
    %scan3A_172 = arith.constant 64 : i32
    %scan3A_173 = arith.addi %scan3A_171, %scan3A_172 : i32
    %scan3A_174 = arith.constant 1 : i32
    %scan3A_175 = scf.for %scan3A_252 = %scan3A_171 to %scan3A_173 step %scan3A_174 iter_args(%scan3A_253 = %scan3A_170) -> (i32)  : i32 {
      %mul3A_254 = arith.constant 128 : i32
      %mul3A_255 = arith.muli %scan3A_252, %mul3A_254 : i32
      %mul3A_256 = arith.constant 128 : i32
      %mul3A_257 = arith.muli %scan3A_252, %mul3A_256 : i32
      %dma_start3A_258 = tpu.memref_slice %arg8[%mul3A_257] : memref<8192xf32, #tpu.memory_space<vmem>> -> memref<100xf32, #tpu.memory_space<vmem>>
      %dma_start3A_259 = tpu.memref_slice %arg6[%mul3A_255] : memref<8192xi32, #tpu.memory_space<vmem>> -> memref<100xi32, #tpu.memory_space<vmem>>
      %dma_start3A_260 = arith.constant 0 : i32
      %dma_start3A_261 = tpu.memref_slice %arg10[%dma_start3A_260] : memref<1000000xf32, #tpu.memory_space<vmem_shared>> -> memref<1000000xf32, #tpu.memory_space<vmem_shared>>
      tpu.enqueue_indirect_dma source(%dma_start3A_261 : memref<1000000xf32, #tpu.memory_space<vmem_shared>>) target(%dma_start3A_258 : memref<100xf32, #tpu.memory_space<vmem>>) offsets(%dma_start3A_259 : memref<100xi32, #tpu.memory_space<vmem>>) semaphore(%arg11 : memref<!tpu.dma_semaphore, #tpu.memory_space<semaphore_mem>>)
      %ge3A = arith.constant 16 : i32
      %ge3A_262 = arith.cmpi sge, %scan3A_252, %ge3A : i32
      %convert_element_type3A_263 = arith.extui %ge3A_262 : i1 to i32
      %cond3A_264 = arith.constant 0 : i32
      %cond3A_265 = arith.cmpi ne, %convert_element_type3A_263, %cond3A_264 : i32
      scf.if %cond3A_265 {
        %sub3A = arith.constant 16 : i32
        %sub3A_267 = arith.subi %scan3A_252, %sub3A : i32
        %mul3A_268 = arith.constant 128 : i32
        %mul3A_269 = arith.muli %sub3A_267, %mul3A_268 : i32
        %mul3A_270 = arith.constant 128 : i32
        %mul3A_271 = arith.muli %sub3A_267, %mul3A_270 : i32
        %dma_wait3A_272 = tpu.memref_slice %arg8[%mul3A_271] : memref<8192xf32, #tpu.memory_space<vmem>> -> memref<100xf32, #tpu.memory_space<vmem>>
        %dma_wait3A_273 = tpu.memref_slice %arg6[%mul3A_269] : memref<8192xi32, #tpu.memory_space<vmem>> -> memref<100xi32, #tpu.memory_space<vmem>>
        %dma_wait3A_274 = arith.constant 0 : i32
        %dma_wait3A_275 = tpu.memref_slice %arg10[%dma_wait3A_274] : memref<1000000xf32, #tpu.memory_space<vmem_shared>> -> memref<1000000xf32, #tpu.memory_space<vmem_shared>>
        tpu.wait_indirect_dma semaphore(%arg11 : memref<!tpu.dma_semaphore, #tpu.memory_space<semaphore_mem>>) src(%dma_wait3A_275 : memref<1000000xf32, #tpu.memory_space<vmem_shared>>) dst(%dma_wait3A_272 : memref<100xf32, #tpu.memory_space<vmem>>)
      } else {
      }
      %scan3A_266 = arith.constant 0 : i32
      scf.yield %scan3A_266 : i32
    }
    %scan3A_176 = arith.constant 64 : i32
    %scan3A_177 = arith.constant 0 : i32
    %scan3A_178 = arith.constant 0 : i32
    %scan3A_179 = arith.constant 16 : i32
    %scan3A_180 = arith.addi %scan3A_178, %scan3A_179 : i32
    %scan3A_181 = arith.constant 1 : i32
    %scan3A_182 = scf.for %scan3A_252 = %scan3A_178 to %scan3A_180 step %scan3A_181 iter_args(%scan3A_253 = %scan3A_177) -> (i32)  : i32 {
      %add3A_254 = arith.constant 48 : i32
      %add3A_255 = arith.addi %add3A_254, %scan3A_252 : i32
      %mul3A_256 = arith.constant 128 : i32
      %mul3A_257 = arith.muli %add3A_255, %mul3A_256 : i32
      %mul3A_258 = arith.constant 128 : i32
      %mul3A_259 = arith.muli %add3A_255, %mul3A_258 : i32
      %dma_wait3A_260 = tpu.memref_slice %arg8[%mul3A_259] : memref<8192xf32, #tpu.memory_space<vmem>> -> memref<100xf32, #tpu.memory_space<vmem>>
      %dma_wait3A_261 = tpu.memref_slice %arg6[%mul3A_257] : memref<8192xi32, #tpu.memory_space<vmem>> -> memref<100xi32, #tpu.memory_space<vmem>>
      %dma_wait3A_262 = arith.constant 0 : i32
      %dma_wait3A_263 = tpu.memref_slice %arg10[%dma_wait3A_262] : memref<1000000xf32, #tpu.memory_space<vmem_shared>> -> memref<1000000xf32, #tpu.memory_space<vmem_shared>>
      tpu.wait_indirect_dma semaphore(%arg11 : memref<!tpu.dma_semaphore, #tpu.memory_space<semaphore_mem>>) src(%dma_wait3A_263 : memref<1000000xf32, #tpu.memory_space<vmem_shared>>) dst(%dma_wait3A_260 : memref<100xf32, #tpu.memory_space<vmem>>)
      %scan3A_264 = arith.constant 0 : i32
      scf.yield %scan3A_264 : i32
    }
    %scan3A_183 = arith.constant 16 : i32
    %add3A_184 = arith.constant 40960 : i32
    %add3A_185 = arith.addi %mul3A_2, %add3A_184 : i32
    %dma_start3A_186 = tpu.memref_slice %arg4[%add3A_185] : memref<2097152xf32, #tpu.memory_space<hbm>> -> memref<8192xf32, #tpu.memory_space<hbm>>
    %dma_start3A_187 = tpu.memref_slice %arg4[%add3A_185] : memref<2097152xf32, #tpu.memory_space<hbm>> -> memref<8192xf32, #tpu.memory_space<hbm>>
    tpu.enqueue_dma source(%arg8 : memref<8192xf32, #tpu.memory_space<vmem>>) target(%dma_start3A_187 : memref<8192xf32, #tpu.memory_space<hbm>>) target_semaphore(%arg13 : memref<!tpu.dma_semaphore, #tpu.memory_space<semaphore_mem>>)
    %add3A_188 = arith.constant 57344 : i32
    %add3A_189 = arith.addi %mul3A_2, %add3A_188 : i32
    %dma_start3A_190 = tpu.memref_slice %arg3[%add3A_189] : memref<2097152xi32, #tpu.memory_space<hbm>> -> memref<8192xi32, #tpu.memory_space<hbm>>
    %dma_start3A_191 = tpu.memref_slice %arg3[%add3A_189] : memref<2097152xi32, #tpu.memory_space<hbm>> -> memref<8192xi32, #tpu.memory_space<hbm>>
    tpu.enqueue_dma source(%dma_start3A_191 : memref<8192xi32, #tpu.memory_space<hbm>>) target(%arg6 : memref<8192xi32, #tpu.memory_space<vmem>>) target_semaphore(%arg12 : memref<!tpu.dma_semaphore, #tpu.memory_space<semaphore_mem>>)
    %add3A_192 = arith.constant 49152 : i32
    %add3A_193 = arith.addi %mul3A_2, %add3A_192 : i32
    %dma_wait3A_194 = tpu.memref_slice %arg3[%add3A_193] : memref<2097152xi32, #tpu.memory_space<hbm>> -> memref<8192xi32, #tpu.memory_space<hbm>>
    %dma_wait3A_195 = tpu.memref_slice %arg3[%add3A_193] : memref<2097152xi32, #tpu.memory_space<hbm>> -> memref<8192xi32, #tpu.memory_space<hbm>>
    tpu.wait_dma2 semaphore(%arg12 : memref<!tpu.dma_semaphore, #tpu.memory_space<semaphore_mem>>) src(%dma_wait3A_195 : memref<8192xi32, #tpu.memory_space<hbm>>) dst(%arg5 : memref<8192xi32, #tpu.memory_space<vmem>>)
    %add3A_196 = arith.constant 32768 : i32
    %add3A_197 = arith.addi %mul3A_2, %add3A_196 : i32
    %dma_wait3A_198 = tpu.memref_slice %arg4[%add3A_197] : memref<2097152xf32, #tpu.memory_space<hbm>> -> memref<8192xf32, #tpu.memory_space<hbm>>
    %dma_wait3A_199 = tpu.memref_slice %arg4[%add3A_197] : memref<2097152xf32, #tpu.memory_space<hbm>> -> memref<8192xf32, #tpu.memory_space<hbm>>
    tpu.wait_dma2 semaphore(%arg13 : memref<!tpu.dma_semaphore, #tpu.memory_space<semaphore_mem>>) src(%arg7 : memref<8192xf32, #tpu.memory_space<vmem>>) dst(%dma_wait3A_199 : memref<8192xf32, #tpu.memory_space<hbm>>)
    %scan3A_200 = arith.constant 0 : i32
    %scan3A_201 = arith.constant 0 : i32
    %scan3A_202 = arith.constant 64 : i32
    %scan3A_203 = arith.addi %scan3A_201, %scan3A_202 : i32
    %scan3A_204 = arith.constant 1 : i32
    %scan3A_205 = scf.for %scan3A_252 = %scan3A_201 to %scan3A_203 step %scan3A_204 iter_args(%scan3A_253 = %scan3A_200) -> (i32)  : i32 {
      %mul3A_254 = arith.constant 128 : i32
      %mul3A_255 = arith.muli %scan3A_252, %mul3A_254 : i32
      %mul3A_256 = arith.constant 128 : i32
      %mul3A_257 = arith.muli %scan3A_252, %mul3A_256 : i32
      %dma_start3A_258 = tpu.memref_slice %arg7[%mul3A_257] : memref<8192xf32, #tpu.memory_space<vmem>> -> memref<100xf32, #tpu.memory_space<vmem>>
      %dma_start3A_259 = tpu.memref_slice %arg5[%mul3A_255] : memref<8192xi32, #tpu.memory_space<vmem>> -> memref<100xi32, #tpu.memory_space<vmem>>
      %dma_start3A_260 = arith.constant 0 : i32
      %dma_start3A_261 = tpu.memref_slice %arg10[%dma_start3A_260] : memref<1000000xf32, #tpu.memory_space<vmem_shared>> -> memref<1000000xf32, #tpu.memory_space<vmem_shared>>
      tpu.enqueue_indirect_dma source(%dma_start3A_261 : memref<1000000xf32, #tpu.memory_space<vmem_shared>>) target(%dma_start3A_258 : memref<100xf32, #tpu.memory_space<vmem>>) offsets(%dma_start3A_259 : memref<100xi32, #tpu.memory_space<vmem>>) semaphore(%arg11 : memref<!tpu.dma_semaphore, #tpu.memory_space<semaphore_mem>>)
      %ge3A = arith.constant 16 : i32
      %ge3A_262 = arith.cmpi sge, %scan3A_252, %ge3A : i32
      %convert_element_type3A_263 = arith.extui %ge3A_262 : i1 to i32
      %cond3A_264 = arith.constant 0 : i32
      %cond3A_265 = arith.cmpi ne, %convert_element_type3A_263, %cond3A_264 : i32
      scf.if %cond3A_265 {
        %sub3A = arith.constant 16 : i32
        %sub3A_267 = arith.subi %scan3A_252, %sub3A : i32
        %mul3A_268 = arith.constant 128 : i32
        %mul3A_269 = arith.muli %sub3A_267, %mul3A_268 : i32
        %mul3A_270 = arith.constant 128 : i32
        %mul3A_271 = arith.muli %sub3A_267, %mul3A_270 : i32
        %dma_wait3A_272 = tpu.memref_slice %arg7[%mul3A_271] : memref<8192xf32, #tpu.memory_space<vmem>> -> memref<100xf32, #tpu.memory_space<vmem>>
        %dma_wait3A_273 = tpu.memref_slice %arg5[%mul3A_269] : memref<8192xi32, #tpu.memory_space<vmem>> -> memref<100xi32, #tpu.memory_space<vmem>>
        %dma_wait3A_274 = arith.constant 0 : i32
        %dma_wait3A_275 = tpu.memref_slice %arg10[%dma_wait3A_274] : memref<1000000xf32, #tpu.memory_space<vmem_shared>> -> memref<1000000xf32, #tpu.memory_space<vmem_shared>>
        tpu.wait_indirect_dma semaphore(%arg11 : memref<!tpu.dma_semaphore, #tpu.memory_space<semaphore_mem>>) src(%dma_wait3A_275 : memref<1000000xf32, #tpu.memory_space<vmem_shared>>) dst(%dma_wait3A_272 : memref<100xf32, #tpu.memory_space<vmem>>)
      } else {
      }
      %scan3A_266 = arith.constant 0 : i32
      scf.yield %scan3A_266 : i32
    }
    %scan3A_206 = arith.constant 64 : i32
    %scan3A_207 = arith.constant 0 : i32
    %scan3A_208 = arith.constant 0 : i32
    %scan3A_209 = arith.constant 16 : i32
    %scan3A_210 = arith.addi %scan3A_208, %scan3A_209 : i32
    %scan3A_211 = arith.constant 1 : i32
    %scan3A_212 = scf.for %scan3A_252 = %scan3A_208 to %scan3A_210 step %scan3A_211 iter_args(%scan3A_253 = %scan3A_207) -> (i32)  : i32 {
      %add3A_254 = arith.constant 48 : i32
      %add3A_255 = arith.addi %add3A_254, %scan3A_252 : i32
      %mul3A_256 = arith.constant 128 : i32
      %mul3A_257 = arith.muli %add3A_255, %mul3A_256 : i32
      %mul3A_258 = arith.constant 128 : i32
      %mul3A_259 = arith.muli %add3A_255, %mul3A_258 : i32
      %dma_wait3A_260 = tpu.memref_slice %arg7[%mul3A_259] : memref<8192xf32, #tpu.memory_space<vmem>> -> memref<100xf32, #tpu.memory_space<vmem>>
      %dma_wait3A_261 = tpu.memref_slice %arg5[%mul3A_257] : memref<8192xi32, #tpu.memory_space<vmem>> -> memref<100xi32, #tpu.memory_space<vmem>>
      %dma_wait3A_262 = arith.constant 0 : i32
      %dma_wait3A_263 = tpu.memref_slice %arg10[%dma_wait3A_262] : memref<1000000xf32, #tpu.memory_space<vmem_shared>> -> memref<1000000xf32, #tpu.memory_space<vmem_shared>>
      tpu.wait_indirect_dma semaphore(%arg11 : memref<!tpu.dma_semaphore, #tpu.memory_space<semaphore_mem>>) src(%dma_wait3A_263 : memref<1000000xf32, #tpu.memory_space<vmem_shared>>) dst(%dma_wait3A_260 : memref<100xf32, #tpu.memory_space<vmem>>)
      %scan3A_264 = arith.constant 0 : i32
      scf.yield %scan3A_264 : i32
    }
    %scan3A_213 = arith.constant 16 : i32
    %add3A_214 = arith.constant 49152 : i32
    %add3A_215 = arith.addi %mul3A_2, %add3A_214 : i32
    %dma_start3A_216 = tpu.memref_slice %arg4[%add3A_215] : memref<2097152xf32, #tpu.memory_space<hbm>> -> memref<8192xf32, #tpu.memory_space<hbm>>
    %dma_start3A_217 = tpu.memref_slice %arg4[%add3A_215] : memref<2097152xf32, #tpu.memory_space<hbm>> -> memref<8192xf32, #tpu.memory_space<hbm>>
    tpu.enqueue_dma source(%arg7 : memref<8192xf32, #tpu.memory_space<vmem>>) target(%dma_start3A_217 : memref<8192xf32, #tpu.memory_space<hbm>>) target_semaphore(%arg13 : memref<!tpu.dma_semaphore, #tpu.memory_space<semaphore_mem>>)
    %add3A_218 = arith.constant 57344 : i32
    %add3A_219 = arith.addi %mul3A_2, %add3A_218 : i32
    %dma_wait3A_220 = tpu.memref_slice %arg3[%add3A_219] : memref<2097152xi32, #tpu.memory_space<hbm>> -> memref<8192xi32, #tpu.memory_space<hbm>>
    %dma_wait3A_221 = tpu.memref_slice %arg3[%add3A_219] : memref<2097152xi32, #tpu.memory_space<hbm>> -> memref<8192xi32, #tpu.memory_space<hbm>>
    tpu.wait_dma2 semaphore(%arg12 : memref<!tpu.dma_semaphore, #tpu.memory_space<semaphore_mem>>) src(%dma_wait3A_221 : memref<8192xi32, #tpu.memory_space<hbm>>) dst(%arg6 : memref<8192xi32, #tpu.memory_space<vmem>>)
    %add3A_222 = arith.constant 40960 : i32
    %add3A_223 = arith.addi %mul3A_2, %add3A_222 : i32
    %dma_wait3A_224 = tpu.memref_slice %arg4[%add3A_223] : memref<2097152xf32, #tpu.memory_space<hbm>> -> memref<8192xf32, #tpu.memory_space<hbm>>
    %dma_wait3A_225 = tpu.memref_slice %arg4[%add3A_223] : memref<2097152xf32, #tpu.memory_space<hbm>> -> memref<8192xf32, #tpu.memory_space<hbm>>
    tpu.wait_dma2 semaphore(%arg13 : memref<!tpu.dma_semaphore, #tpu.memory_space<semaphore_mem>>) src(%arg8 : memref<8192xf32, #tpu.memory_space<vmem>>) dst(%dma_wait3A_225 : memref<8192xf32, #tpu.memory_space<hbm>>)
    %scan3A_226 = arith.constant 0 : i32
    %scan3A_227 = arith.constant 0 : i32
    %scan3A_228 = arith.constant 64 : i32
    %scan3A_229 = arith.addi %scan3A_227, %scan3A_228 : i32
    %scan3A_230 = arith.constant 1 : i32
    %scan3A_231 = scf.for %scan3A_252 = %scan3A_227 to %scan3A_229 step %scan3A_230 iter_args(%scan3A_253 = %scan3A_226) -> (i32)  : i32 {
      %mul3A_254 = arith.constant 128 : i32
      %mul3A_255 = arith.muli %scan3A_252, %mul3A_254 : i32
      %mul3A_256 = arith.constant 128 : i32
      %mul3A_257 = arith.muli %scan3A_252, %mul3A_256 : i32
      %dma_start3A_258 = tpu.memref_slice %arg8[%mul3A_257] : memref<8192xf32, #tpu.memory_space<vmem>> -> memref<100xf32, #tpu.memory_space<vmem>>
      %dma_start3A_259 = tpu.memref_slice %arg6[%mul3A_255] : memref<8192xi32, #tpu.memory_space<vmem>> -> memref<100xi32, #tpu.memory_space<vmem>>
      %dma_start3A_260 = arith.constant 0 : i32
      %dma_start3A_261 = tpu.memref_slice %arg10[%dma_start3A_260] : memref<1000000xf32, #tpu.memory_space<vmem_shared>> -> memref<1000000xf32, #tpu.memory_space<vmem_shared>>
      tpu.enqueue_indirect_dma source(%dma_start3A_261 : memref<1000000xf32, #tpu.memory_space<vmem_shared>>) target(%dma_start3A_258 : memref<100xf32, #tpu.memory_space<vmem>>) offsets(%dma_start3A_259 : memref<100xi32, #tpu.memory_space<vmem>>) semaphore(%arg11 : memref<!tpu.dma_semaphore, #tpu.memory_space<semaphore_mem>>)
      %ge3A = arith.constant 16 : i32
      %ge3A_262 = arith.cmpi sge, %scan3A_252, %ge3A : i32
      %convert_element_type3A_263 = arith.extui %ge3A_262 : i1 to i32
      %cond3A_264 = arith.constant 0 : i32
      %cond3A_265 = arith.cmpi ne, %convert_element_type3A_263, %cond3A_264 : i32
      scf.if %cond3A_265 {
        %sub3A = arith.constant 16 : i32
        %sub3A_267 = arith.subi %scan3A_252, %sub3A : i32
        %mul3A_268 = arith.constant 128 : i32
        %mul3A_269 = arith.muli %sub3A_267, %mul3A_268 : i32
        %mul3A_270 = arith.constant 128 : i32
        %mul3A_271 = arith.muli %sub3A_267, %mul3A_270 : i32
        %dma_wait3A_272 = tpu.memref_slice %arg8[%mul3A_271] : memref<8192xf32, #tpu.memory_space<vmem>> -> memref<100xf32, #tpu.memory_space<vmem>>
        %dma_wait3A_273 = tpu.memref_slice %arg6[%mul3A_269] : memref<8192xi32, #tpu.memory_space<vmem>> -> memref<100xi32, #tpu.memory_space<vmem>>
        %dma_wait3A_274 = arith.constant 0 : i32
        %dma_wait3A_275 = tpu.memref_slice %arg10[%dma_wait3A_274] : memref<1000000xf32, #tpu.memory_space<vmem_shared>> -> memref<1000000xf32, #tpu.memory_space<vmem_shared>>
        tpu.wait_indirect_dma semaphore(%arg11 : memref<!tpu.dma_semaphore, #tpu.memory_space<semaphore_mem>>) src(%dma_wait3A_275 : memref<1000000xf32, #tpu.memory_space<vmem_shared>>) dst(%dma_wait3A_272 : memref<100xf32, #tpu.memory_space<vmem>>)
      } else {
      }
      %scan3A_266 = arith.constant 0 : i32
      scf.yield %scan3A_266 : i32
    }
    %scan3A_232 = arith.constant 64 : i32
    %scan3A_233 = arith.constant 0 : i32
    %scan3A_234 = arith.constant 0 : i32
    %scan3A_235 = arith.constant 16 : i32
    %scan3A_236 = arith.addi %scan3A_234, %scan3A_235 : i32
    %scan3A_237 = arith.constant 1 : i32
    %scan3A_238 = scf.for %scan3A_252 = %scan3A_234 to %scan3A_236 step %scan3A_237 iter_args(%scan3A_253 = %scan3A_233) -> (i32)  : i32 {
      %add3A_254 = arith.constant 48 : i32
      %add3A_255 = arith.addi %add3A_254, %scan3A_252 : i32
      %mul3A_256 = arith.constant 128 : i32
      %mul3A_257 = arith.muli %add3A_255, %mul3A_256 : i32
      %mul3A_258 = arith.constant 128 : i32
      %mul3A_259 = arith.muli %add3A_255, %mul3A_258 : i32
      %dma_wait3A_260 = tpu.memref_slice %arg8[%mul3A_259] : memref<8192xf32, #tpu.memory_space<vmem>> -> memref<100xf32, #tpu.memory_space<vmem>>
      %dma_wait3A_261 = tpu.memref_slice %arg6[%mul3A_257] : memref<8192xi32, #tpu.memory_space<vmem>> -> memref<100xi32, #tpu.memory_space<vmem>>
      %dma_wait3A_262 = arith.constant 0 : i32
      %dma_wait3A_263 = tpu.memref_slice %arg10[%dma_wait3A_262] : memref<1000000xf32, #tpu.memory_space<vmem_shared>> -> memref<1000000xf32, #tpu.memory_space<vmem_shared>>
      tpu.wait_indirect_dma semaphore(%arg11 : memref<!tpu.dma_semaphore, #tpu.memory_space<semaphore_mem>>) src(%dma_wait3A_263 : memref<1000000xf32, #tpu.memory_space<vmem_shared>>) dst(%dma_wait3A_260 : memref<100xf32, #tpu.memory_space<vmem>>)
      %scan3A_264 = arith.constant 0 : i32
      scf.yield %scan3A_264 : i32
    }
    %scan3A_239 = arith.constant 16 : i32
    %add3A_240 = arith.constant 57344 : i32
    %add3A_241 = arith.addi %mul3A_2, %add3A_240 : i32
    %dma_start3A_242 = tpu.memref_slice %arg4[%add3A_241] : memref<2097152xf32, #tpu.memory_space<hbm>> -> memref<8192xf32, #tpu.memory_space<hbm>>
    %dma_start3A_243 = tpu.memref_slice %arg4[%add3A_241] : memref<2097152xf32, #tpu.memory_space<hbm>> -> memref<8192xf32, #tpu.memory_space<hbm>>
    tpu.enqueue_dma source(%arg8 : memref<8192xf32, #tpu.memory_space<vmem>>) target(%dma_start3A_243 : memref<8192xf32, #tpu.memory_space<hbm>>) target_semaphore(%arg13 : memref<!tpu.dma_semaphore, #tpu.memory_space<semaphore_mem>>)
    %add3A_244 = arith.constant 49152 : i32
    %add3A_245 = arith.addi %mul3A_2, %add3A_244 : i32
    %dma_wait3A_246 = tpu.memref_slice %arg4[%add3A_245] : memref<2097152xf32, #tpu.memory_space<hbm>> -> memref<8192xf32, #tpu.memory_space<hbm>>
    %dma_wait3A_247 = tpu.memref_slice %arg4[%add3A_245] : memref<2097152xf32, #tpu.memory_space<hbm>> -> memref<8192xf32, #tpu.memory_space<hbm>>
    tpu.wait_dma2 semaphore(%arg13 : memref<!tpu.dma_semaphore, #tpu.memory_space<semaphore_mem>>) src(%arg7 : memref<8192xf32, #tpu.memory_space<vmem>>) dst(%dma_wait3A_247 : memref<8192xf32, #tpu.memory_space<hbm>>)
    %add3A_248 = arith.constant 57344 : i32
    %add3A_249 = arith.addi %mul3A_2, %add3A_248 : i32
    %dma_wait3A_250 = tpu.memref_slice %arg4[%add3A_249] : memref<2097152xf32, #tpu.memory_space<hbm>> -> memref<8192xf32, #tpu.memory_space<hbm>>
    %dma_wait3A_251 = tpu.memref_slice %arg4[%add3A_249] : memref<2097152xf32, #tpu.memory_space<hbm>> -> memref<8192xf32, #tpu.memory_space<hbm>>
    tpu.wait_dma2 semaphore(%arg13 : memref<!tpu.dma_semaphore, #tpu.memory_space<semaphore_mem>>) src(%arg8 : memref<8192xf32, #tpu.memory_space<vmem>>) dst(%dma_wait3A_251 : memref<8192xf32, #tpu.memory_space<hbm>>)
    return
  }
}

</mosaic_0001>

<sc_bundles>
// kernel: kernel.3.cloned.1.call-start
scs
__scs_entry_jumppad:
0x0: {  	(pc) =	sbr.rel $0x88, $3  }
0x1: {  	(tag) =	ssettag $0x0;
	lr =	simm.s32 $0x1  }
0x2: {  	[smem:$0x3F9F] =	sst lr;
	_ =	strace $0xD0000000  }
0x3: {  	_ = 	snop  }
0x4: {  	_ = 	snop  }
0x5: {  	_ = 	snop  }
0x6: {  	_ = 	snop  }
0x7: {  	_ = 	snop  }
__scs_overlays_trampoline_lowered:
0x8: {  	[smem:$0x3FAE] =	sst s0  }
0x9: {  	[smem:$0x3FAF] =	sst s1  }
0xa: {  	[smem:$0x3FB0] =	sst s2  }
0xb: {  	[smem:$0x3FB1] =	sst s3  }
0xc: {  	[smem:$0x3FB2] =	sst s4  }
0xd: {  	[smem:$0x3FB3] =	sst s5  }
0xe: {  	[smem:$0x3FB4] =	sst s6  }
0xf: {  	[smem:$0x3FB5] =	sst s7  }
0x10: {  	[smem:$0x3FB6] =	sst s8  }
0x11: {  	[smem:$0x3FB7] =	sst s9;
	s0 =	simm.s32 @!p0 $0x0  }
0x12: {  	s1 =	sld [smem:$0x3F9D];
	s0 =	simm.s32 @p0 $0x1  }
0x13: {  	[smem:$0x3FB8] =	sst s0;
	s0 =	simm.s32 @!p1 $0x0  }
0x14: {  	s2 =	sld [smem:$0x3F9C];
	s0 =	simm.s32 @p1 $0x1  }
0x15: {  	[smem:$0x3FB9] =	sst s0;
	s0 =	simm.s32 @!p2 $0x0  }
0x16: {  	s3 =	sld [smem:$0x3FDB];
	s0 =	simm.s32 @p2 $0x1  }
0x17: {  	s4 =	simm.s32 $0x1BF5;
	[smem:$0x3FBB] =	sst s0  }
0x18: {  	s0 =	sld [smem:$0x3F9E];
	_ =	swait.ge [sflag:s4], $0x0  }
0x19: {  	s7 =	sld [smem:$0x3F9F]  }
0x1a: {  	s8 =	sadd.s32 $0xFFFFE003, lr  }
0x1b: {  	s9 =	sadd.s32 $0xFFFFFEF7, lr;
	s5 =	simm.s32 $0xFFFFFFFF;
	p2 =	slt.u32 s8, $0xFFFFF086  }
0x1c: {  	p1 =	slt.u32 s9, $0xF7A;
	s5 =	simm.s32 @!p2 $0x0  }
0x1d: {  	s5 =	simm.s32 @p1 $0x1;
	p0 =	seq.s32 s7, s2  }
0x1e: {  	s7 =	smul.u32 @!p0 $0xF7A, s2;
	p2 =	seq.s32 @!p0 s5, $0x0  }
0x1f: {  	s9 =	smul.u32 $0xF7A, s1;
	s8 =	simm.s32 @!p0 $0x1BF5;
	p2 =	por !p2, p0  }
0x20: {  	[sflag:s8] =	ssyncset.s32 @!p0 $0xFFFFF086;
	s6 =	sadd.s32 @!p0 s3, s7;
	s7 =	simm.s32 @!p0 $0x108  }
0x21: {  	s3 =	sadd.s32 s3, s9;
	s6 =	sadd.s32 @!p0 $0x88, s6;
	s7 =	simm.s32 @p2 $0x1082  }
0x22: {  	[simem:s7], [sflag:s8] =	dma.local @!p0 [hbm:s6], $0xF7A  }
0x23: {  	s9 =	sor.u32 $0xD0000000, s2;
	s6 =	simm.s32 $0x108;
	_ =	swait.ge @!p0 [sflag:s8], $0x0  }
0x24: {  	s3 =	sadd.s32 $0x88, s3;
	s6 =	simm.s32 @!p1 $0x1082;
	[sflag:s4] =	ssyncset.s32 $0xFFFFF086  }
0x25: {  	[simem:s6], [sflag:s4] =	dma.local [hbm:s3], $0xF7A  }
0x26: {  	[smem:$0x3F9F] =	sst s1;
	(tag) =	ssettag s2;
	_ =	strace s9  }
0x27: {  	s1 =	sld [smem:$0x3FAF]  }
0x28: {  	s2 =	sld [smem:$0x3FB0]  }
0x29: {  	s4 =	sld [smem:$0x3FB2]  }
0x2a: {  	p0 =	seq.s32 s5, $0x0;
	s5 =	sld [smem:$0x3FB3]  }
0x2b: {  	s6 =	sld [smem:$0x3FB4]  }
0x2c: {  	s7 =	sld [smem:$0x3FB5]  }
0x2d: {  	s3 =	simm.s32 $0x108;
	s8 =	sld [smem:$0x3FB6]  }
0x2e: {  	s3 =	simm.s32 @!p0 $0x1082;
	s9 =	sld [smem:$0x3FB7]  }
0x2f: {  	lr =	sadd.s32 s0, s3;
	s0 =	sld [smem:$0x3FAE]  }
0x30: {  	s3 =	sld [smem:$0x3FB1]  }
0x31: {  	[smem:$0x3FBA] =	sst s10  }
0x32: {  	s10 =	sld [smem:$0x3FB8];
	_ =	sdelay $0x3  }
0x33: {  	p0 =	seq.s32 s10, $0x1;
	s10 =	sld [smem:$0x3FBA];
	_ =	sdelay $0x3  }
0x34: {  	[smem:$0x3FBA] =	sst s10  }
0x35: {  	s10 =	sld [smem:$0x3FB9];
	_ =	sdelay $0x3  }
0x36: {  	p1 =	seq.s32 s10, $0x1;
	s10 =	sld [smem:$0x3FBA];
	_ =	sdelay $0x3  }
0x37: {  	[smem:$0x3FBA] =	sst s10  }
0x38: {  	s10 =	sld [smem:$0x3FBB]  }
0x39: {  	_ = 	snop;
	(pc) =	sbr.ind lr, $3  }
0x3a: {  	_ = 	snop  }
0x3b: {  	_ = 	snop  }
0x3c: {  	p2 =	seq.s32 s10, $0x1;
	s10 =	sld [smem:$0x3FBA]  }
0x3d: {  	_ =	shalt  }
0x3e: {  	_ =	shalt  }
0x3f: {  	_ =	shalt  }
0x40: {  	_ =	shalt  }
0x41: {  	_ =	shalt  }
0x42: {  	_ =	shalt  }
0x43: {  	_ =	shalt  }
0x44: {  	_ =	shalt  }
0x45: {  	_ =	shalt  }
0x46: {  	_ =	shalt  }
0x47: {  	_ =	shalt  }
0x48: {  	_ =	shalt  }
0x49: {  	_ =	shalt  }
0x4a: {  	_ =	shalt  }
0x4b: {  	_ =	shalt  }
0x4c: {  	_ =	shalt  }
0x4d: {  	_ =	shalt  }
0x4e: {  	_ =	shalt  }
0x4f: {  	_ =	shalt  }
0x50: {  	_ =	shalt  }
0x51: {  	_ =	shalt  }
0x52: {  	_ =	shalt  }
0x53: {  	_ =	shalt  }
0x54: {  	_ =	shalt  }
0x55: {  	_ =	shalt  }
0x56: {  	_ =	shalt  }
0x57: {  	_ =	shalt  }
0x58: {  	_ =	shalt  }
0x59: {  	_ =	shalt  }
0x5a: {  	_ =	shalt  }
0x5b: {  	_ =	shalt  }
0x5c: {  	_ =	shalt  }
0x5d: {  	_ =	shalt  }
0x5e: {  	_ =	shalt  }
0x5f: {  	_ =	shalt  }
0x60: {  	_ =	shalt  }
0x61: {  	_ =	shalt  }
0x62: {  	_ =	shalt  }
0x63: {  	_ =	shalt  }
0x64: {  	_ =	shalt  }
0x65: {  	_ =	shalt  }
0x66: {  	_ =	shalt  }
0x67: {  	_ =	shalt  }
0x68: {  	_ =	shalt  }
0x69: {  	_ =	shalt  }
0x6a: {  	_ =	shalt  }
0x6b: {  	_ =	shalt  }
0x6c: {  	_ =	shalt  }
0x6d: {  	_ =	shalt  }
0x6e: {  	_ =	shalt  }
0x6f: {  	_ =	shalt  }
0x70: {  	_ =	shalt  }
0x71: {  	_ =	shalt  }
0x72: {  	_ =	shalt  }
0x73: {  	_ =	shalt  }
0x74: {  	_ =	shalt  }
0x75: {  	_ =	shalt  }
0x76: {  	_ =	shalt  }
0x77: {  	_ =	shalt  }
0x78: {  	_ =	shalt  }
0x79: {  	_ =	shalt  }
0x7a: {  	_ =	shalt  }
0x7b: {  	_ =	shalt  }
0x7c: {  	_ =	shalt  }
0x7d: {  	_ =	shalt  }
0x7e: {  	_ =	shalt  }
0x7f: {  	_ =	shalt  }
0x80: {  	_ =	shalt  }
0x81: {  	_ =	shalt  }
0x82: {  	_ =	shalt  }
0x83: {  	_ =	shalt  }
0x84: {  	_ =	shalt  }
0x85: {  	_ =	shalt  }
0x86: {  	_ =	shalt  }
0x87: {  	_ =	shalt  }
.Lfunc_end0:
.L_simem_size_0:
called_computation_lowered:
.L_overlay_start_0:
0x88: {  	s2 =	sld [smem:$0x3FD9]  }
0x89: {  	s3 =	sld [smem:$0x3FFE];
	_ =	sdelay $0x1  }
0x8a: {  	s1 =	srdreg.scid  }
0x8b: {  	s0 =	sand.u32 $0x1, s1  }
0x8c: {  	s17 =	sshll.u32 s0, $0xA;
	s2 =	sadd.s32 s3, s2  }
0x8d: {  	s2 =	sadd.s32 s2, s17  }
0x8e: {  	[smem:$0x3FC6] =	sst s2  }
0x8f: {  	_ = 	snop  }
0x90: {  	s2 =	sld [smem:$0x3FC9];
	(tm) =	ssettm $0x1  }
0x91: {  	s18 =	sld [smem:$0x3FFB];
	_ =	sdelay $0x3  }
0x92: {  	_ =	strace s18  }
0x93: {  	s3 =	sld [smem:$0x3FFC];
	_ =	sdelay $0x3  }
0x94: {  	_ =	strace s3  }
0x95: {  	s3 =	sld [smem:$0x3FFD];
	_ =	sdelay $0x3  }
0x96: {  	_ =	strace s3  }
0x97: {  	_ =	strace $0x8FFFFFFF  }
0x98: {  	s19 =	sld [smem:$0x3FDB];
	_ =	sdelay $0x1  }
0x99: {  	s4 =	simm.s32 $_scs_section_size  }
0x9a: {  	s5 =	simm.s32 $_size__tile_overlayer_lowered;
	s6 =	simm.s32 $_tile_overlayer_lowered  }
0x9b: {  	s22 =	simm.s32 $0x1BFF;
	s21 =	sshll.u32 s6, $0x1;
	s3 =	sadd.s32 s4, s19  }
0x9c: {  	s7 =	simm.s32 $0x0;
	s20 =	sshll.u32 s5, $0x1;
	s5 =	sadd.s32 s21, s3  }
0x9d: {  	[timem:s7], [sflag:s22] =	dma.local [hbm:s5], s20  }
0x9e: {  	_ =	swait.ge [sflag:s22], s20  }
0x9f: {  	s4 =	ssub.s32 $0x0, s20;
	[sflag:s22] =	ssyncset.done $0x0  }
0xa0: {  	[sflag:s22] =	ssyncadd.s32 s4;
	_ =	sdelay $0x1  }
0xa1: {  	s23 =	simm.s32 $0x1B8B  }
0xa2: {  	_ =	swait.ge [sflag:s23], $0x1  }
0xa3: {  	[sflag:s23] =	ssyncset.done $0x0  }
0xa4: {  	s25 =	simm.s32 $0x1B8E;
	s24 =	sld [smem:$0x3FFE];
	[sflag:s23] =	ssyncadd.s32 $0xFFFFFFFF  }
0xa5: {  	s26 =	simm.s32 $execute0_lowered;
	[smem:$0x3FD2] =	sst s25  }
0xa6: {  	s5 =	sshll.u32 s26, $0x1;
	_ =	strace $0x80000046;
	[dreg:$0x1] =	wrdreg $0xFFFFFFFF  }
0xa7: {  	s28 =	simm.s32 $_size_execute0_lowered;
	s3 =	sadd.s32 s3, s5;
	[dreg:$0x0] =	wrdreg $0x0  }
0xa8: {  	s5 =	sshll.u32 s28, $0x1;
	[dreg:$0x2] =	wrdreg s3  }
0xa9: {  	[dreg:$0x3] =	wrdreg s5  }
0xaa: {  	[dreg:$0x4] =	wrdreg $0xC0  }
0xab: {  	_ =	task [dreg:s7], $0x5FFFF  }
0xac: {  	[dreg:$0x1] =	wrdreg $0xFFFFFFFF  }
0xad: {  	[dreg:$0x0] =	wrdreg $0x60  }
0xae: {  	[dreg:$0x2] =	wrdreg s2  }
0xaf: {  	[dreg:$0x3] =	wrdreg s24  }
0xb0: {  	[dreg:$0x4] =	wrdreg $0xBD800  }
0xb1: {  	[dreg:$0x5] =	wrdreg $0x9  }
0xb2: {  	_ =	task.clear_ibuf [dreg:s7], $0x6FFFF;
	_ =	strace $0x90000046  }
0xb3: {  	s29 =	simm.s32 $0x9;
	_ =	strace $0x80000048  }
0xb4: {  	_ =	swait.ge [sflag:s29], $0x1  }
0xb5: {  	[sflag:s29] =	ssyncadd.s32 $0xFFFFFFFF  }
0xb6: {  	_ =	strace $0x90000048  }
0xb7: {  	_ =	sfence  }
0xb8: {  	s30 =	sld [smem:$0x0];
	_ =	sdelay $0x2  }
0xb9: {  	s31 =	sshll.u32 s1, $0xD;
	s1 =	sshrl.u32 s1, $0x2  }
0xba: {  	s3 =	sand.u32 $0x4000, s31;
	s1 =	sadd.s32 s1, s30  }
0xbb: {  	s0 =	sor.u32 s3, s0;
	s1 =	sshll.u32 s1, $0x11  }
0xbc: {  	s0 =	sor.u32 s1, s0  }
0xbd: {  	s0 =	sadd.s32 $0x8F2B, s0  }
0xbe: {  	[sflag:s0] =	ssyncadd.remote.s32 $0x1  }
0xbf: {  	_ =	sfence.sel $0xFFFF  }
0xc0: {  	[dreg:$0x0] =	wrdreg $0xFFFFFFFF;
	(pc) =	sbr.abs _section_cstart, $3  }
0xc1: {  	[dreg:$0x1] =	wrdreg $0xFFFFFFFF  }
0xc2: {  	_ =	task.clear_ibuf [dreg:s7], $0x2FFFF;
	_ =	strace $0x9FFFFFFF  }
0xc3: {  	(tm) =	ssettm $0x7FFFFFFF  }
tec
execute0_lowered:
.L_overlay_start_1:
0x0: {  	(tag) =	ssettag $0x1  }
0x1: {  	s0 =	rddreg [dreg:$0x0]  }
0x2: {  	s3 =	rddreg [dreg:$0x1]  }
0x3: {  	s1 =	rddreg [dreg:$0x2];
	s2 =	simm.s32 $0x0;
	s5 =	srdreg.scid  }
0x4: {  	s13 =	stileid.u32;
	[smem:$0x7FF] =	sst s2  }
0x5: {  	s4 =	sadd.s32 $0x400, s3;
	s3 =	sadd.s32 $0x40400, s3;
	s5 =	sand.u32 $0x1, s5  }
0x6: {  	s7 =	sshll.u32 s13, $0xE;
	s29 =	sadd.s32 $0x1E840, s0;
	p0 =	sne.s32 s13, $0xF  }
0x7: {  	s31 =	sadd.s32 $0xF4200, s1;
	s6 =	ssub.s32 $0x2, s5;
	s5 =	sshll.u32 s5, $0xD  }
0x8: {  	s8 =	sshrl.u32 s6, $0x1;
	s5 =	sor.u32 s5, s7;
	s7 =	smul.u32 $0xF420, s13  }
0x9: {  	s6 =	ssub.s32 s6, s8;
	s15 =	sadd.s32 s4, s5;
	s16 =	sor.u32 $0x400, s5  }
0xa: {  	s17 =	sadd.s32 s3, s5;
	s18 =	sor.u32 $0x800, s5;
	s12 =	sor.u32 $0xC00, s5  }
0xb: {  	s21 =	sor.u32 $0x1000, s5;
	s22 =	sor.u32 $0x1400, s5;
	s25 =	sor.u32 $0x1800, s5  }
0xc: {  	s5 =	sor.u32 $0x1C00, s5;
	[dreg:$0x4] =	wrdreg s15;
	s9 =	sshrl.u32 s7, $0x3  }
0xd: {  	s10 =	sadd.s32 $0x3D08, s7;
	s11 =	sadd.s32 s4, s16;
	[dreg:$0x6] =	wrdreg s17  }
0xe: {  	s14 =	sadd.s32 s4, s18;
	s8 =	sadd.s32 s3, s16;
	[dreg:$0x5] =	wrdreg s11  }
0xf: {  	s19 =	sadd.s32 s4, s12;
	s20 =	sadd.s32 s3, s18;
	[dreg:$0x7] =	wrdreg s14  }
0x10: {  	s23 =	sadd.s32 s4, s21;
	s12 =	sadd.s32 s3, s12;
	[dreg:$0x8] =	wrdreg s8  }
0x11: {  	s24 =	sadd.s32 s4, s22;
	s26 =	sadd.s32 s4, s25;
	[dreg:$0x9] =	wrdreg s19  }
0x12: {  	s16 =	sadd.s32 s3, s22;
	s17 =	sadd.s32 s4, s5;
	[dreg:$0xa] =	wrdreg s20  }
0x13: {  	s18 =	sadd.s32 s3, s25;
	s22 =	sadd.s32 s7, s1;
	[dreg:$0xb] =	wrdreg s23  }
0x14: {  	s15 =	sadd.s32 $0xB718, s7;
	s30 =	smax.u32 s6, $0x1;
	[dreg:$0xc] =	wrdreg s12  }
0x15: {  	s4 =	simm.s32 $0x2000;
	s6 =	simm.s32 $0x64;
	[dreg:$0xd] =	wrdreg s24  }
0x16: {  	s8 =	sadd.s32 s3, s21;
	[dreg:$0xf] =	wrdreg s26;
	s19 =	sadd.s32 s3, s5  }
0x17: {  	s12 =	sshrl.u32 s10, $0x3;
	s20 =	sadd.s32 s0, s9;
	s14 =	sadd.s32 $0x7A10, s7  }
0x18: {  	s23 =	sadd.s32 s10, s1;
	s7 =	sshrl.u32 s15, $0x3;
	s28 =	sadd.s32 s15, s1  }
0x19: {  	s3 =	simm.s32 $0x4;
	s5 =	simm.s32 $0x2;
	s9 =	simm.s32 $0x6000  }
0x1a: {  	s10 =	simm.s32 $0x3;
	s11 =	simm.s32 $0x0;
	[dreg:$0xe] =	wrdreg s8  }
0x1b: {  	s21 =	sadd.s32 s0, s12;
	s26 =	sshrl.u32 s14, $0x3;
	s25 =	sadd.s32 s14, s1  }
0x1c: {  	s8 =	simm.s32 $0x4000;
	_ =	strace $0x80000047;
	s24 =	sadd.s32 s0, s26  }
0x1d: {  	s26 =	sadd.s32 s0, s7;
	s0 =	simm.s32 $0x8000;
	s7 =	simm.s32 $0x1  }
.LBB2_1:
0x1e: {  	s12 =	rddreg [dreg:$0x4]  }
0x1f: {  	[tilespmem:s2], [sflag:$0x2] =	stream.linear.gather [hbm4b:s12+s2], $0x2000, $0x38;
	[tilespmem:$0x1B1A8] =	vst v63  }
0x20: {  	_ = 	snop  }
0x21: {  	[tilespmem:s0], [sflag:$0x4] =	stream.linear.gather [hbm4b:s20+s2], $0x3D08, $0x38;
	[tilespmem:$0x1B1A8] =	vst v63  }
0x22: {  	_ =	swait.ge [sflag:s3], $0x3D08  }
0x23: {  	[sflag:s3] =	ssyncset.done $0x0  }
0x24: {  	[sflag:s3] =	ssyncadd.s32 $0xFFFFC2F8  }
0x25: {  	[spmem:s22] =	stream.linear.scatter [tilespmem:s0], [sflag:$0x4], $0x3D08, $0x38;
	[tilespmem:$0x1B1A8] =	vst v63  }
0x26: {  	_ =	swait.ge [sflag:s3], $0x3D08  }
0x27: {  	[sflag:s3] =	ssyncset.done $0x0  }
0x28: {  	[sflag:s3] =	ssyncadd.s32 $0xFFFFC2F8  }
0x29: {  	[tilespmem:s0], [sflag:$0x4] =	stream.linear.gather [hbm4b:s21+s2], $0x3D08, $0x38;
	[tilespmem:$0x1B1A8] =	vst v63  }
0x2a: {  	_ =	swait.ge [sflag:s3], $0x3D08  }
0x2b: {  	[sflag:s3] =	ssyncset.done $0x0  }
0x2c: {  	[sflag:s3] =	ssyncadd.s32 $0xFFFFC2F8  }
0x2d: {  	[spmem:s23] =	stream.linear.scatter [tilespmem:s0], [sflag:$0x4], $0x3D08, $0x38;
	[tilespmem:$0x1B1A8] =	vst v63  }
0x2e: {  	_ =	swait.ge [sflag:s3], $0x3D08  }
0x2f: {  	[sflag:s3] =	ssyncset.done $0x0  }
0x30: {  	[sflag:s3] =	ssyncadd.s32 $0xFFFFC2F8  }
0x31: {  	[tilespmem:s0], [sflag:$0x4] =	stream.linear.gather [hbm4b:s24+s2], $0x3D08, $0x38;
	[tilespmem:$0x1B1A8] =	vst v63  }
0x32: {  	_ =	swait.ge [sflag:s3], $0x3D08  }
0x33: {  	[sflag:s3] =	ssyncset.done $0x0  }
0x34: {  	[sflag:s3] =	ssyncadd.s32 $0xFFFFC2F8  }
0x35: {  	[spmem:s25] =	stream.linear.scatter [tilespmem:s0], [sflag:$0x4], $0x3D08, $0x38;
	[tilespmem:$0x1B1A8] =	vst v63  }
0x36: {  	_ =	swait.ge [sflag:s3], $0x3D08  }
0x37: {  	[sflag:s3] =	ssyncset.done $0x0  }
0x38: {  	[sflag:s3] =	ssyncadd.s32 $0xFFFFC2F8  }
0x39: {  	[tilespmem:s0], [sflag:$0x4] =	stream.linear.gather [hbm4b:s26+s2], $0x3D08, $0x38;
	[tilespmem:$0x1B1A8] =	vst v63  }
0x3a: {  	_ =	swait.ge [sflag:s3], $0x3D08  }
0x3b: {  	[sflag:s3] =	ssyncset.done $0x0  }
0x3c: {  	[sflag:s3] =	ssyncadd.s32 $0xFFFFC2F8  }
0x3d: {  	[spmem:s28] =	stream.linear.scatter [tilespmem:s0], [sflag:$0x4], $0x3D08, $0x38;
	[tilespmem:$0x1B1A8] =	vst v63  }
0x3e: {  	_ =	swait.ge [sflag:s3], $0x3D08  }
0x3f: {  	[sflag:s3] =	ssyncset.done $0x0  }
0x40: {  	s13 =	simm.s32 @!p0 $0x8000;
	s12 =	simm.s32 @!p0 $0x0;
	[sflag:s3] =	ssyncadd.s32 $0xFFFFC2F8  }
0x41: {  	[tilespmem:s13], [sflag:$0x4] =	stream.linear.gather @!p0 [hbm4b:s29+s12], $0x40, $0x38;
	[tilespmem:$0x1B1A8] =	vst v63  }
0x42: {  	s12 =	simm.s32 @!p0 $0x4  }
0x43: {  	_ =	swait.ge @!p0 [sflag:s12], $0x40  }
0x44: {  	[sflag:s12] =	ssyncset.done @!p0 $0x0  }
0x45: {  	[sflag:s12] =	ssyncadd.s32 @!p0 $0xFFFFFFC0  }
0x46: {  	[spmem:s31] =	stream.linear.scatter @!p0 [tilespmem:s13], [sflag:$0x4], $0x40, $0x38;
	[tilespmem:$0x1B1A8] =	vst v63  }
0x47: {  	_ =	swait.ge @!p0 [sflag:s12], $0x40  }
0x48: {  	[sflag:s12] =	ssyncset.done @!p0 $0x0  }
0x49: {  	[sflag:s12] =	ssyncadd.s32 @!p0 $0xFFFFFFC0  }
0x4a: {  	[bflag:$0x0] =	sbarrier.arrive $0xFFFF  }
0x4b: {  	s15 =	rddreg [dreg:$0x5]  }
0x4c: {  	[tilespmem:s4], [sflag:$0x2] =	stream.linear.gather [hbm4b:s15+s2], $0x2000, $0x38;
	[tilespmem:$0x1B1A8] =	vst v63  }
0x4d: {  	_ =	swait.ge [sflag:s5], $0x2000  }
0x4e: {  	p1 =	por $0x1, $0x1;
	[sflag:s5] =	ssyncset.done $0x0  }
0x4f: {  	s15 =	simm.s32 @!p1 $0x1;
	[sflag:s5] =	ssyncadd.s32 $0xFFFFE000  }
0x50: {  	[tilespmem:s8], [sflag:$0x1] =	stream.indirect.gather [spmem:s1], $0x1, s2, s6, $0xb8;
	[tilespmem:$0x1B1A8] =	vst v63  }
0x51: {  	s14 =	simm.s32 $0x4000;
	_ =	swait.ge @!p1 [sflag:s15], $0x64  }
0x52: {  	s13 =	simm.s32 $0x80;
	s12 =	simm.s32 $0x1;
	[sflag:s15] =	ssyncset.done @!p1 $0x0  }
.LBB2_2:
0x53: {  	[sflag:s15] =	ssyncadd.s32 @!p1 $0xFFFFFF9C  }
0x54: {  	s14 =	sadd.s32 $0x80, s14;
	s15 =	smov.u32 s12;
	s12 =	sadd.s32 $0x1, s12  }
0x55: {  	p2 =	sne.s32 s12, $0x40  }
0x56: {  	[tilespmem:s14], [sflag:$0x1] =	stream.indirect.gather [spmem:s1], $0x1, s13, s6, $0xb8;
	[tilespmem:$0x1B1A8] =	vst v63  }
.Ltmp0:
0x57: {  	_ = 	snop;
	(pc) =	sbr.rel @p2 .LBB2_2-.Ltmp0, $4  }
0x58: {  	p1 =	slt.u32 s15, $0x10  }
0x59: {  	s15 =	simm.s32 @!p1 $0x1  }
0x5a: {  	_ =	swait.ge @!p1 [sflag:s15], $0x64  }
0x5b: {  	s13 =	sadd.s32 $0x80, s13;
	[sflag:s15] =	ssyncset.done @!p1 $0x0  }
0x5c: {  	[sflag:s15] =	ssyncadd.s32 @!p1 $0xFFFFFF9C  }
0x5d: {  	_ =	swait.ge [sflag:s7], $0x64  }
0x5e: {  	[sflag:s7] =	ssyncset.done $0x0  }
0x5f: {  	[sflag:s7] =	ssyncadd.s32 $0xFFFFFF9C  }
0x60: {  	_ =	swait.ge [sflag:s7], $0x64  }
0x61: {  	[sflag:s7] =	ssyncset.done $0x0  }
0x62: {  	[sflag:s7] =	ssyncadd.s32 $0xFFFFFF9C  }
0x63: {  	_ =	swait.ge [sflag:s7], $0x64  }
0x64: {  	[sflag:s7] =	ssyncset.done $0x0  }
0x65: {  	[sflag:s7] =	ssyncadd.s32 $0xFFFFFF9C  }
0x66: {  	_ =	swait.ge [sflag:s7], $0x64  }
0x67: {  	[sflag:s7] =	ssyncset.done $0x0  }
0x68: {  	[sflag:s7] =	ssyncadd.s32 $0xFFFFFF9C  }
0x69: {  	_ =	swait.ge [sflag:s7], $0x64  }
0x6a: {  	[sflag:s7] =	ssyncset.done $0x0  }
0x6b: {  	[sflag:s7] =	ssyncadd.s32 $0xFFFFFF9C  }
0x6c: {  	_ =	swait.ge [sflag:s7], $0x64  }
0x6d: {  	[sflag:s7] =	ssyncset.done $0x0  }
0x6e: {  	[sflag:s7] =	ssyncadd.s32 $0xFFFFFF9C  }
0x6f: {  	_ =	swait.ge [sflag:s7], $0x64  }
0x70: {  	[sflag:s7] =	ssyncset.done $0x0  }
0x71: {  	[sflag:s7] =	ssyncadd.s32 $0xFFFFFF9C  }
0x72: {  	_ =	swait.ge [sflag:s7], $0x64  }
0x73: {  	[sflag:s7] =	ssyncset.done $0x0  }
0x74: {  	[sflag:s7] =	ssyncadd.s32 $0xFFFFFF9C  }
0x75: {  	_ =	swait.ge [sflag:s7], $0x64  }
0x76: {  	[sflag:s7] =	ssyncset.done $0x0  }
0x77: {  	[sflag:s7] =	ssyncadd.s32 $0xFFFFFF9C  }
0x78: {  	_ =	swait.ge [sflag:s7], $0x64  }
0x79: {  	[sflag:s7] =	ssyncset.done $0x0  }
0x7a: {  	[sflag:s7] =	ssyncadd.s32 $0xFFFFFF9C  }
0x7b: {  	_ =	swait.ge [sflag:s7], $0x64  }
0x7c: {  	[sflag:s7] =	ssyncset.done $0x0  }
0x7d: {  	[sflag:s7] =	ssyncadd.s32 $0xFFFFFF9C  }
0x7e: {  	_ =	swait.ge [sflag:s7], $0x64  }
0x7f: {  	[sflag:s7] =	ssyncset.done $0x0  }
0x80: {  	[sflag:s7] =	ssyncadd.s32 $0xFFFFFF9C  }
0x81: {  	_ =	swait.ge [sflag:s7], $0x64  }
0x82: {  	[sflag:s7] =	ssyncset.done $0x0  }
0x83: {  	[sflag:s7] =	ssyncadd.s32 $0xFFFFFF9C  }
0x84: {  	_ =	swait.ge [sflag:s7], $0x64  }
0x85: {  	[sflag:s7] =	ssyncset.done $0x0  }
0x86: {  	[sflag:s7] =	ssyncadd.s32 $0xFFFFFF9C  }
0x87: {  	_ =	swait.ge [sflag:s7], $0x64  }
0x88: {  	[sflag:s7] =	ssyncset.done $0x0  }
0x89: {  	[sflag:s7] =	ssyncadd.s32 $0xFFFFFF9C  }
0x8a: {  	_ =	swait.ge [sflag:s7], $0x64  }
0x8b: {  	[sflag:s7] =	ssyncset.done $0x0  }
0x8c: {  	s12 =	simm.s32 $0x0;
	s13 =	rddreg [dreg:$0x6];
	[sflag:s7] =	ssyncadd.s32 $0xFFFFFF9C  }
0x8d: {  	[hbm4b:s13+s12] =	stream.linear.scatter [tilespmem:s8], [sflag:$0x3], $0x2000, $0x38;
	[tilespmem:$0x1B1A8] =	vst v63  }
0x8e: {  	s14 =	rddreg [dreg:$0x7]  }
0x8f: {  	[tilespmem:s12], [sflag:$0x2] =	stream.linear.gather [hbm4b:s14+s12], $0x2000, $0x38;
	[tilespmem:$0x1B1A8] =	vst v63  }
0x90: {  	_ =	swait.ge [sflag:s5], $0x2000  }
0x91: {  	s15 =	simm.s32 $0x2000;
	[sflag:s5] =	ssyncset.done $0x0  }
0x92: {  	p1 =	por $0x1, $0x1;
	s12 =	simm.s32 $0x6000;
	[sflag:s5] =	ssyncadd.s32 $0xFFFFE000  }
0x93: {  	[tilespmem:s12], [sflag:$0x1] =	stream.indirect.gather [spmem:s1], $0x1, s15, s6, $0xb8;
	[tilespmem:$0x1B1A8] =	vst v63  }
0x94: {  	s15 =	simm.s32 @!p1 $0x1  }
0x95: {  	_ =	swait.ge @!p1 [sflag:s15], $0x64  }
0x96: {  	s13 =	simm.s32 $0x1;
	s14 =	simm.s32 $0x2080;
	[sflag:s15] =	ssyncset.done @!p1 $0x0  }
.LBB2_4:
0x97: {  	[sflag:s15] =	ssyncadd.s32 @!p1 $0xFFFFFF9C  }
0x98: {  	s12 =	sadd.s32 $0x80, s12;
	s15 =	smov.u32 s13;
	s13 =	sadd.s32 $0x1, s13  }
0x99: {  	p2 =	sne.s32 s13, $0x40  }
0x9a: {  	[tilespmem:s12], [sflag:$0x1] =	stream.indirect.gather [spmem:s1], $0x1, s14, s6, $0xb8;
	[tilespmem:$0x1B1A8] =	vst v63  }
.Ltmp1:
0x9b: {  	_ = 	snop;
	(pc) =	sbr.rel @p2 .LBB2_4-.Ltmp1, $4  }
0x9c: {  	p1 =	slt.u32 s15, $0x10  }
0x9d: {  	s15 =	simm.s32 @!p1 $0x1  }
0x9e: {  	_ =	swait.ge @!p1 [sflag:s15], $0x64  }
0x9f: {  	s14 =	sadd.s32 $0x80, s14;
	[sflag:s15] =	ssyncset.done @!p1 $0x0  }
0xa0: {  	[sflag:s15] =	ssyncadd.s32 @!p1 $0xFFFFFF9C  }
0xa1: {  	_ =	swait.ge [sflag:s7], $0x64  }
0xa2: {  	[sflag:s7] =	ssyncset.done $0x0  }
0xa3: {  	[sflag:s7] =	ssyncadd.s32 $0xFFFFFF9C  }
0xa4: {  	_ =	swait.ge [sflag:s7], $0x64  }
0xa5: {  	[sflag:s7] =	ssyncset.done $0x0  }
0xa6: {  	[sflag:s7] =	ssyncadd.s32 $0xFFFFFF9C  }
0xa7: {  	_ =	swait.ge [sflag:s7], $0x64  }
0xa8: {  	[sflag:s7] =	ssyncset.done $0x0  }
0xa9: {  	[sflag:s7] =	ssyncadd.s32 $0xFFFFFF9C  }
0xaa: {  	_ =	swait.ge [sflag:s7], $0x64  }
0xab: {  	[sflag:s7] =	ssyncset.done $0x0  }
0xac: {  	[sflag:s7] =	ssyncadd.s32 $0xFFFFFF9C  }
0xad: {  	_ =	swait.ge [sflag:s7], $0x64  }
0xae: {  	[sflag:s7] =	ssyncset.done $0x0  }
0xaf: {  	[sflag:s7] =	ssyncadd.s32 $0xFFFFFF9C  }
0xb0: {  	_ =	swait.ge [sflag:s7], $0x64  }
0xb1: {  	[sflag:s7] =	ssyncset.done $0x0  }
0xb2: {  	[sflag:s7] =	ssyncadd.s32 $0xFFFFFF9C  }
0xb3: {  	_ =	swait.ge [sflag:s7], $0x64  }
0xb4: {  	[sflag:s7] =	ssyncset.done $0x0  }
0xb5: {  	[sflag:s7] =	ssyncadd.s32 $0xFFFFFF9C  }
0xb6: {  	_ =	swait.ge [sflag:s7], $0x64  }
0xb7: {  	[sflag:s7] =	ssyncset.done $0x0  }
0xb8: {  	[sflag:s7] =	ssyncadd.s32 $0xFFFFFF9C  }
0xb9: {  	_ =	swait.ge [sflag:s7], $0x64  }
0xba: {  	[sflag:s7] =	ssyncset.done $0x0  }
0xbb: {  	[sflag:s7] =	ssyncadd.s32 $0xFFFFFF9C  }
0xbc: {  	_ =	swait.ge [sflag:s7], $0x64  }
0xbd: {  	[sflag:s7] =	ssyncset.done $0x0  }
0xbe: {  	[sflag:s7] =	ssyncadd.s32 $0xFFFFFF9C  }
0xbf: {  	_ =	swait.ge [sflag:s7], $0x64  }
0xc0: {  	[sflag:s7] =	ssyncset.done $0x0  }
0xc1: {  	[sflag:s7] =	ssyncadd.s32 $0xFFFFFF9C  }
0xc2: {  	_ =	swait.ge [sflag:s7], $0x64  }
0xc3: {  	[sflag:s7] =	ssyncset.done $0x0  }
0xc4: {  	[sflag:s7] =	ssyncadd.s32 $0xFFFFFF9C  }
0xc5: {  	_ =	swait.ge [sflag:s7], $0x64  }
0xc6: {  	[sflag:s7] =	ssyncset.done $0x0  }
0xc7: {  	[sflag:s7] =	ssyncadd.s32 $0xFFFFFF9C  }
0xc8: {  	_ =	swait.ge [sflag:s7], $0x64  }
0xc9: {  	[sflag:s7] =	ssyncset.done $0x0  }
0xca: {  	[sflag:s7] =	ssyncadd.s32 $0xFFFFFF9C  }
0xcb: {  	_ =	swait.ge [sflag:s7], $0x64  }
0xcc: {  	[sflag:s7] =	ssyncset.done $0x0  }
0xcd: {  	[sflag:s7] =	ssyncadd.s32 $0xFFFFFF9C  }
0xce: {  	_ =	swait.ge [sflag:s7], $0x64  }
0xcf: {  	[sflag:s7] =	ssyncset.done $0x0  }
0xd0: {  	s13 =	simm.s32 $0x0;
	s12 =	rddreg [dreg:$0x8];
	[sflag:s7] =	ssyncadd.s32 $0xFFFFFF9C  }
0xd1: {  	[hbm4b:s12+s13] =	stream.linear.scatter [tilespmem:s9], [sflag:$0x3], $0x2000, $0x38;
	[tilespmem:$0x1B1A8] =	vst v63  }
0xd2: {  	s15 =	rddreg [dreg:$0x9]  }
0xd3: {  	[tilespmem:s4], [sflag:$0x2] =	stream.linear.gather [hbm4b:s15+s13], $0x2000, $0x38;
	[tilespmem:$0x1B1A8] =	vst v63  }
0xd4: {  	_ =	swait.ge [sflag:s5], $0x2000  }
0xd5: {  	[sflag:s5] =	ssyncset.done $0x0  }
0xd6: {  	[sflag:s5] =	ssyncadd.s32 $0xFFFFE000  }
0xd7: {  	_ =	swait.ge [sflag:s10], $0x2000  }
0xd8: {  	p1 =	por $0x1, $0x1;
	[sflag:s10] =	ssyncset.done $0x0  }
0xd9: {  	s12 =	simm.s32 $0x4000;
	s15 =	simm.s32 @!p1 $0x1;
	[sflag:s10] =	ssyncadd.s32 $0xFFFFE000  }
0xda: {  	[tilespmem:s12], [sflag:$0x1] =	stream.indirect.gather [spmem:s1], $0x1, s13, s6, $0xb8;
	[tilespmem:$0x1B1A8] =	vst v63  }
0xdb: {  	_ =	swait.ge @!p1 [sflag:s15], $0x64  }
0xdc: {  	s14 =	simm.s32 $0x80;
	s13 =	simm.s32 $0x1;
	[sflag:s15] =	ssyncset.done @!p1 $0x0  }
.LBB2_6:
0xdd: {  	[sflag:s15] =	ssyncadd.s32 @!p1 $0xFFFFFF9C  }
0xde: {  	s12 =	sadd.s32 $0x80, s12;
	s15 =	smov.u32 s13;
	s13 =	sadd.s32 $0x1, s13  }
0xdf: {  	p2 =	sne.s32 s13, $0x40  }
0xe0: {  	[tilespmem:s12], [sflag:$0x1] =	stream.indirect.gather [spmem:s1], $0x1, s14, s6, $0xb8;
	[tilespmem:$0x1B1A8] =	vst v63  }
.Ltmp2:
0xe1: {  	_ = 	snop;
	(pc) =	sbr.rel @p2 .LBB2_6-.Ltmp2, $4  }
0xe2: {  	p1 =	slt.u32 s15, $0x10  }
0xe3: {  	s15 =	simm.s32 @!p1 $0x1  }
0xe4: {  	_ =	swait.ge @!p1 [sflag:s15], $0x64  }
0xe5: {  	s14 =	sadd.s32 $0x80, s14;
	[sflag:s15] =	ssyncset.done @!p1 $0x0  }
0xe6: {  	[sflag:s15] =	ssyncadd.s32 @!p1 $0xFFFFFF9C  }
0xe7: {  	_ =	swait.ge [sflag:s7], $0x64  }
0xe8: {  	[sflag:s7] =	ssyncset.done $0x0  }
0xe9: {  	[sflag:s7] =	ssyncadd.s32 $0xFFFFFF9C  }
0xea: {  	_ =	swait.ge [sflag:s7], $0x64  }
0xeb: {  	[sflag:s7] =	ssyncset.done $0x0  }
0xec: {  	[sflag:s7] =	ssyncadd.s32 $0xFFFFFF9C  }
0xed: {  	_ =	swait.ge [sflag:s7], $0x64  }
0xee: {  	[sflag:s7] =	ssyncset.done $0x0  }
0xef: {  	[sflag:s7] =	ssyncadd.s32 $0xFFFFFF9C  }
0xf0: {  	_ =	swait.ge [sflag:s7], $0x64  }
0xf1: {  	[sflag:s7] =	ssyncset.done $0x0  }
0xf2: {  	[sflag:s7] =	ssyncadd.s32 $0xFFFFFF9C  }
0xf3: {  	_ =	swait.ge [sflag:s7], $0x64  }
0xf4: {  	[sflag:s7] =	ssyncset.done $0x0  }
0xf5: {  	[sflag:s7] =	ssyncadd.s32 $0xFFFFFF9C  }
0xf6: {  	_ =	swait.ge [sflag:s7], $0x64  }
0xf7: {  	[sflag:s7] =	ssyncset.done $0x0  }
0xf8: {  	[sflag:s7] =	ssyncadd.s32 $0xFFFFFF9C  }
0xf9: {  	_ =	swait.ge [sflag:s7], $0x64  }
0xfa: {  	[sflag:s7] =	ssyncset.done $0x0  }
0xfb: {  	[sflag:s7] =	ssyncadd.s32 $0xFFFFFF9C  }
0xfc: {  	_ =	swait.ge [sflag:s7], $0x64  }
0xfd: {  	[sflag:s7] =	ssyncset.done $0x0  }
0xfe: {  	[sflag:s7] =	ssyncadd.s32 $0xFFFFFF9C  }
0xff: {  	_ =	swait.ge [sflag:s7], $0x64  }
0x100: {  	[sflag:s7] =	ssyncset.done $0x0  }
0x101: {  	[sflag:s7] =	ssyncadd.s32 $0xFFFFFF9C  }
0x102: {  	_ =	swait.ge [sflag:s7], $0x64  }
0x103: {  	[sflag:s7] =	ssyncset.done $0x0  }
0x104: {  	[sflag:s7] =	ssyncadd.s32 $0xFFFFFF9C  }
0x105: {  	_ =	swait.ge [sflag:s7], $0x64  }
0x106: {  	[sflag:s7] =	ssyncset.done $0x0  }
0x107: {  	[sflag:s7] =	ssyncadd.s32 $0xFFFFFF9C  }
0x108: {  	_ =	swait.ge [sflag:s7], $0x64  }
0x109: {  	[sflag:s7] =	ssyncset.done $0x0  }
0x10a: {  	[sflag:s7] =	ssyncadd.s32 $0xFFFFFF9C  }
0x10b: {  	_ =	swait.ge [sflag:s7], $0x64  }
0x10c: {  	[sflag:s7] =	ssyncset.done $0x0  }
0x10d: {  	[sflag:s7] =	ssyncadd.s32 $0xFFFFFF9C  }
0x10e: {  	_ =	swait.ge [sflag:s7], $0x64  }
0x10f: {  	[sflag:s7] =	ssyncset.done $0x0  }
0x110: {  	[sflag:s7] =	ssyncadd.s32 $0xFFFFFF9C  }
0x111: {  	_ =	swait.ge [sflag:s7], $0x64  }
0x112: {  	[sflag:s7] =	ssyncset.done $0x0  }
0x113: {  	[sflag:s7] =	ssyncadd.s32 $0xFFFFFF9C  }
0x114: {  	_ =	swait.ge [sflag:s7], $0x64  }
0x115: {  	[sflag:s7] =	ssyncset.done $0x0  }
0x116: {  	s12 =	simm.s32 $0x0;
	s13 =	rddreg [dreg:$0xa];
	[sflag:s7] =	ssyncadd.s32 $0xFFFFFF9C  }
0x117: {  	[hbm4b:s13+s12] =	stream.linear.scatter [tilespmem:s8], [sflag:$0x3], $0x2000, $0x38;
	[tilespmem:$0x1B1A8] =	vst v63  }
0x118: {  	s14 =	rddreg [dreg:$0xb]  }
0x119: {  	[tilespmem:s12], [sflag:$0x2] =	stream.linear.gather [hbm4b:s14+s12], $0x2000, $0x38;
	[tilespmem:$0x1B1A8] =	vst v63  }
0x11a: {  	_ =	swait.ge [sflag:s5], $0x2000  }
0x11b: {  	[sflag:s5] =	ssyncset.done $0x0  }
0x11c: {  	[sflag:s5] =	ssyncadd.s32 $0xFFFFE000  }
0x11d: {  	_ =	swait.ge [sflag:s10], $0x2000  }
0x11e: {  	s15 =	simm.s32 $0x2000;
	[sflag:s10] =	ssyncset.done $0x0  }
0x11f: {  	p1 =	por $0x1, $0x1;
	s12 =	simm.s32 $0x6000;
	[sflag:s10] =	ssyncadd.s32 $0xFFFFE000  }
0x120: {  	[tilespmem:s12], [sflag:$0x1] =	stream.indirect.gather [spmem:s1], $0x1, s15, s6, $0xb8;
	[tilespmem:$0x1B1A8] =	vst v63  }
0x121: {  	s15 =	simm.s32 @!p1 $0x1  }
0x122: {  	_ =	swait.ge @!p1 [sflag:s15], $0x64  }
0x123: {  	s13 =	simm.s32 $0x1;
	s14 =	simm.s32 $0x2080;
	[sflag:s15] =	ssyncset.done @!p1 $0x0  }
.LBB2_8:
0x124: {  	[sflag:s15] =	ssyncadd.s32 @!p1 $0xFFFFFF9C  }
0x125: {  	s12 =	sadd.s32 $0x80, s12;
	s15 =	smov.u32 s13;
	s13 =	sadd.s32 $0x1, s13  }
0x126: {  	p2 =	sne.s32 s13, $0x40  }
0x127: {  	[tilespmem:s12], [sflag:$0x1] =	stream.indirect.gather [spmem:s1], $0x1, s14, s6, $0xb8;
	[tilespmem:$0x1B1A8] =	vst v63  }
.Ltmp3:
0x128: {  	_ = 	snop;
	(pc) =	sbr.rel @p2 .LBB2_8-.Ltmp3, $4  }
0x129: {  	p1 =	slt.u32 s15, $0x10  }
0x12a: {  	s15 =	simm.s32 @!p1 $0x1  }
0x12b: {  	_ =	swait.ge @!p1 [sflag:s15], $0x64  }
0x12c: {  	s14 =	sadd.s32 $0x80, s14;
	[sflag:s15] =	ssyncset.done @!p1 $0x0  }
0x12d: {  	[sflag:s15] =	ssyncadd.s32 @!p1 $0xFFFFFF9C  }
0x12e: {  	_ =	swait.ge [sflag:s7], $0x64  }
0x12f: {  	[sflag:s7] =	ssyncset.done $0x0  }
0x130: {  	[sflag:s7] =	ssyncadd.s32 $0xFFFFFF9C  }
0x131: {  	_ =	swait.ge [sflag:s7], $0x64  }
0x132: {  	[sflag:s7] =	ssyncset.done $0x0  }
0x133: {  	[sflag:s7] =	ssyncadd.s32 $0xFFFFFF9C  }
0x134: {  	_ =	swait.ge [sflag:s7], $0x64  }
0x135: {  	[sflag:s7] =	ssyncset.done $0x0  }
0x136: {  	[sflag:s7] =	ssyncadd.s32 $0xFFFFFF9C  }
0x137: {  	_ =	swait.ge [sflag:s7], $0x64  }
0x138: {  	[sflag:s7] =	ssyncset.done $0x0  }
0x139: {  	[sflag:s7] =	ssyncadd.s32 $0xFFFFFF9C  }
0x13a: {  	_ =	swait.ge [sflag:s7], $0x64  }
0x13b: {  	[sflag:s7] =	ssyncset.done $0x0  }
0x13c: {  	[sflag:s7] =	ssyncadd.s32 $0xFFFFFF9C  }
0x13d: {  	_ =	swait.ge [sflag:s7], $0x64  }
0x13e: {  	[sflag:s7] =	ssyncset.done $0x0  }
0x13f: {  	[sflag:s7] =	ssyncadd.s32 $0xFFFFFF9C  }
0x140: {  	_ =	swait.ge [sflag:s7], $0x64  }
0x141: {  	[sflag:s7] =	ssyncset.done $0x0  }
0x142: {  	[sflag:s7] =	ssyncadd.s32 $0xFFFFFF9C  }
0x143: {  	_ =	swait.ge [sflag:s7], $0x64  }
0x144: {  	[sflag:s7] =	ssyncset.done $0x0  }
0x145: {  	[sflag:s7] =	ssyncadd.s32 $0xFFFFFF9C  }
0x146: {  	_ =	swait.ge [sflag:s7], $0x64  }
0x147: {  	[sflag:s7] =	ssyncset.done $0x0  }
0x148: {  	[sflag:s7] =	ssyncadd.s32 $0xFFFFFF9C  }
0x149: {  	_ =	swait.ge [sflag:s7], $0x64  }
0x14a: {  	[sflag:s7] =	ssyncset.done $0x0  }
0x14b: {  	[sflag:s7] =	ssyncadd.s32 $0xFFFFFF9C  }
0x14c: {  	_ =	swait.ge [sflag:s7], $0x64  }
0x14d: {  	[sflag:s7] =	ssyncset.done $0x0  }
0x14e: {  	[sflag:s7] =	ssyncadd.s32 $0xFFFFFF9C  }
0x14f: {  	_ =	swait.ge [sflag:s7], $0x64  }
0x150: {  	[sflag:s7] =	ssyncset.done $0x0  }
0x151: {  	[sflag:s7] =	ssyncadd.s32 $0xFFFFFF9C  }
0x152: {  	_ =	swait.ge [sflag:s7], $0x64  }
0x153: {  	[sflag:s7] =	ssyncset.done $0x0  }
0x154: {  	[sflag:s7] =	ssyncadd.s32 $0xFFFFFF9C  }
0x155: {  	_ =	swait.ge [sflag:s7], $0x64  }
0x156: {  	[sflag:s7] =	ssyncset.done $0x0  }
0x157: {  	[sflag:s7] =	ssyncadd.s32 $0xFFFFFF9C  }
0x158: {  	_ =	swait.ge [sflag:s7], $0x64  }
0x159: {  	[sflag:s7] =	ssyncset.done $0x0  }
0x15a: {  	[sflag:s7] =	ssyncadd.s32 $0xFFFFFF9C  }
0x15b: {  	_ =	swait.ge [sflag:s7], $0x64  }
0x15c: {  	[sflag:s7] =	ssyncset.done $0x0  }
0x15d: {  	s13 =	simm.s32 $0x0;
	s12 =	rddreg [dreg:$0xc];
	[sflag:s7] =	ssyncadd.s32 $0xFFFFFF9C  }
0x15e: {  	[hbm4b:s12+s13] =	stream.linear.scatter [tilespmem:s9], [sflag:$0x3], $0x2000, $0x38;
	[tilespmem:$0x1B1A8] =	vst v63  }
0x15f: {  	s15 =	rddreg [dreg:$0xd]  }
0x160: {  	[tilespmem:s4], [sflag:$0x2] =	stream.linear.gather [hbm4b:s15+s13], $0x2000, $0x38;
	[tilespmem:$0x1B1A8] =	vst v63  }
0x161: {  	_ =	swait.ge [sflag:s5], $0x2000  }
0x162: {  	[sflag:s5] =	ssyncset.done $0x0  }
0x163: {  	[sflag:s5] =	ssyncadd.s32 $0xFFFFE000  }
0x164: {  	_ =	swait.ge [sflag:s10], $0x2000  }
0x165: {  	p1 =	por $0x1, $0x1;
	[sflag:s10] =	ssyncset.done $0x0  }
0x166: {  	s12 =	simm.s32 $0x4000;
	s15 =	simm.s32 @!p1 $0x1;
	[sflag:s10] =	ssyncadd.s32 $0xFFFFE000  }
0x167: {  	[tilespmem:s12], [sflag:$0x1] =	stream.indirect.gather [spmem:s1], $0x1, s13, s6, $0xb8;
	[tilespmem:$0x1B1A8] =	vst v63  }
0x168: {  	_ =	swait.ge @!p1 [sflag:s15], $0x64  }
0x169: {  	s14 =	simm.s32 $0x80;
	s13 =	simm.s32 $0x1;
	[sflag:s15] =	ssyncset.done @!p1 $0x0  }
.LBB2_10:
0x16a: {  	[sflag:s15] =	ssyncadd.s32 @!p1 $0xFFFFFF9C  }
0x16b: {  	s12 =	sadd.s32 $0x80, s12;
	s15 =	smov.u32 s13;
	s13 =	sadd.s32 $0x1, s13  }
0x16c: {  	p2 =	sne.s32 s13, $0x40  }
0x16d: {  	[tilespmem:s12], [sflag:$0x1] =	stream.indirect.gather [spmem:s1], $0x1, s14, s6, $0xb8;
	[tilespmem:$0x1B1A8] =	vst v63  }
.Ltmp4:
0x16e: {  	_ = 	snop;
	(pc) =	sbr.rel @p2 .LBB2_10-.Ltmp4, $4  }
0x16f: {  	p1 =	slt.u32 s15, $0x10  }
0x170: {  	s15 =	simm.s32 @!p1 $0x1  }
0x171: {  	_ =	swait.ge @!p1 [sflag:s15], $0x64  }
0x172: {  	s14 =	sadd.s32 $0x80, s14;
	[sflag:s15] =	ssyncset.done @!p1 $0x0  }
0x173: {  	[sflag:s15] =	ssyncadd.s32 @!p1 $0xFFFFFF9C  }
0x174: {  	_ =	swait.ge [sflag:s7], $0x64  }
0x175: {  	[sflag:s7] =	ssyncset.done $0x0  }
0x176: {  	[sflag:s7] =	ssyncadd.s32 $0xFFFFFF9C  }
0x177: {  	_ =	swait.ge [sflag:s7], $0x64  }
0x178: {  	[sflag:s7] =	ssyncset.done $0x0  }
0x179: {  	[sflag:s7] =	ssyncadd.s32 $0xFFFFFF9C  }
0x17a: {  	_ =	swait.ge [sflag:s7], $0x64  }
0x17b: {  	[sflag:s7] =	ssyncset.done $0x0  }
0x17c: {  	[sflag:s7] =	ssyncadd.s32 $0xFFFFFF9C  }
0x17d: {  	_ =	swait.ge [sflag:s7], $0x64  }
0x17e: {  	[sflag:s7] =	ssyncset.done $0x0  }
0x17f: {  	[sflag:s7] =	ssyncadd.s32 $0xFFFFFF9C  }
0x180: {  	_ =	swait.ge [sflag:s7], $0x64  }
0x181: {  	[sflag:s7] =	ssyncset.done $0x0  }
0x182: {  	[sflag:s7] =	ssyncadd.s32 $0xFFFFFF9C  }
0x183: {  	_ =	swait.ge [sflag:s7], $0x64  }
0x184: {  	[sflag:s7] =	ssyncset.done $0x0  }
0x185: {  	[sflag:s7] =	ssyncadd.s32 $0xFFFFFF9C  }
0x186: {  	_ =	swait.ge [sflag:s7], $0x64  }
0x187: {  	[sflag:s7] =	ssyncset.done $0x0  }
0x188: {  	[sflag:s7] =	ssyncadd.s32 $0xFFFFFF9C  }
0x189: {  	_ =	swait.ge [sflag:s7], $0x64  }
0x18a: {  	[sflag:s7] =	ssyncset.done $0x0  }
0x18b: {  	[sflag:s7] =	ssyncadd.s32 $0xFFFFFF9C  }
0x18c: {  	_ =	swait.ge [sflag:s7], $0x64  }
0x18d: {  	[sflag:s7] =	ssyncset.done $0x0  }
0x18e: {  	[sflag:s7] =	ssyncadd.s32 $0xFFFFFF9C  }
0x18f: {  	_ =	swait.ge [sflag:s7], $0x64  }
0x190: {  	[sflag:s7] =	ssyncset.done $0x0  }
0x191: {  	[sflag:s7] =	ssyncadd.s32 $0xFFFFFF9C  }
0x192: {  	_ =	swait.ge [sflag:s7], $0x64  }
0x193: {  	[sflag:s7] =	ssyncset.done $0x0  }
0x194: {  	[sflag:s7] =	ssyncadd.s32 $0xFFFFFF9C  }
0x195: {  	_ =	swait.ge [sflag:s7], $0x64  }
0x196: {  	[sflag:s7] =	ssyncset.done $0x0  }
0x197: {  	[sflag:s7] =	ssyncadd.s32 $0xFFFFFF9C  }
0x198: {  	_ =	swait.ge [sflag:s7], $0x64  }
0x199: {  	[sflag:s7] =	ssyncset.done $0x0  }
0x19a: {  	[sflag:s7] =	ssyncadd.s32 $0xFFFFFF9C  }
0x19b: {  	_ =	swait.ge [sflag:s7], $0x64  }
0x19c: {  	[sflag:s7] =	ssyncset.done $0x0  }
0x19d: {  	[sflag:s7] =	ssyncadd.s32 $0xFFFFFF9C  }
0x19e: {  	_ =	swait.ge [sflag:s7], $0x64  }
0x19f: {  	[sflag:s7] =	ssyncset.done $0x0  }
0x1a0: {  	[sflag:s7] =	ssyncadd.s32 $0xFFFFFF9C  }
0x1a1: {  	_ =	swait.ge [sflag:s7], $0x64  }
0x1a2: {  	[sflag:s7] =	ssyncset.done $0x0  }
0x1a3: {  	s12 =	simm.s32 $0x0;
	s13 =	rddreg [dreg:$0xe];
	[sflag:s7] =	ssyncadd.s32 $0xFFFFFF9C  }
0x1a4: {  	[hbm4b:s13+s12] =	stream.linear.scatter [tilespmem:s8], [sflag:$0x3], $0x2000, $0x38;
	[tilespmem:$0x1B1A8] =	vst v63  }
0x1a5: {  	s14 =	rddreg [dreg:$0xf]  }
0x1a6: {  	[tilespmem:s12], [sflag:$0x2] =	stream.linear.gather [hbm4b:s14+s12], $0x2000, $0x38;
	[tilespmem:$0x1B1A8] =	vst v63  }
0x1a7: {  	_ =	swait.ge [sflag:s5], $0x2000  }
0x1a8: {  	[sflag:s5] =	ssyncset.done $0x0  }
0x1a9: {  	[sflag:s5] =	ssyncadd.s32 $0xFFFFE000  }
0x1aa: {  	_ =	swait.ge [sflag:s10], $0x2000  }
0x1ab: {  	s15 =	simm.s32 $0x2000;
	[sflag:s10] =	ssyncset.done $0x0  }
0x1ac: {  	p1 =	por $0x1, $0x1;
	s12 =	simm.s32 $0x6000;
	[sflag:s10] =	ssyncadd.s32 $0xFFFFE000  }
0x1ad: {  	[tilespmem:s12], [sflag:$0x1] =	stream.indirect.gather [spmem:s1], $0x1, s15, s6, $0xb8;
	[tilespmem:$0x1B1A8] =	vst v63  }
0x1ae: {  	s15 =	simm.s32 @!p1 $0x1  }
0x1af: {  	_ =	swait.ge @!p1 [sflag:s15], $0x64  }
0x1b0: {  	s13 =	simm.s32 $0x1;
	s14 =	simm.s32 $0x2080;
	[sflag:s15] =	ssyncset.done @!p1 $0x0  }
.LBB2_12:
0x1b1: {  	[sflag:s15] =	ssyncadd.s32 @!p1 $0xFFFFFF9C  }
0x1b2: {  	s12 =	sadd.s32 $0x80, s12;
	s15 =	smov.u32 s13;
	s13 =	sadd.s32 $0x1, s13  }
0x1b3: {  	p2 =	sne.s32 s13, $0x40  }
0x1b4: {  	[tilespmem:s12], [sflag:$0x1] =	stream.indirect.gather [spmem:s1], $0x1, s14, s6, $0xb8;
	[tilespmem:$0x1B1A8] =	vst v63  }
.Ltmp5:
0x1b5: {  	_ = 	snop;
	(pc) =	sbr.rel @p2 .LBB2_12-.Ltmp5, $4  }
0x1b6: {  	p1 =	slt.u32 s15, $0x10  }
0x1b7: {  	s15 =	simm.s32 @!p1 $0x1  }
0x1b8: {  	_ =	swait.ge @!p1 [sflag:s15], $0x64  }
0x1b9: {  	s14 =	sadd.s32 $0x80, s14;
	[sflag:s15] =	ssyncset.done @!p1 $0x0  }
0x1ba: {  	[sflag:s15] =	ssyncadd.s32 @!p1 $0xFFFFFF9C  }
0x1bb: {  	_ =	swait.ge [sflag:s7], $0x64  }
0x1bc: {  	[sflag:s7] =	ssyncset.done $0x0  }
0x1bd: {  	[sflag:s7] =	ssyncadd.s32 $0xFFFFFF9C  }
0x1be: {  	_ =	swait.ge [sflag:s7], $0x64  }
0x1bf: {  	[sflag:s7] =	ssyncset.done $0x0  }
0x1c0: {  	[sflag:s7] =	ssyncadd.s32 $0xFFFFFF9C  }
0x1c1: {  	_ =	swait.ge [sflag:s7], $0x64  }
0x1c2: {  	[sflag:s7] =	ssyncset.done $0x0  }
0x1c3: {  	[sflag:s7] =	ssyncadd.s32 $0xFFFFFF9C  }
0x1c4: {  	_ =	swait.ge [sflag:s7], $0x64  }
0x1c5: {  	[sflag:s7] =	ssyncset.done $0x0  }
0x1c6: {  	[sflag:s7] =	ssyncadd.s32 $0xFFFFFF9C  }
0x1c7: {  	_ =	swait.ge [sflag:s7], $0x64  }
0x1c8: {  	[sflag:s7] =	ssyncset.done $0x0  }
0x1c9: {  	[sflag:s7] =	ssyncadd.s32 $0xFFFFFF9C  }
0x1ca: {  	_ =	swait.ge [sflag:s7], $0x64  }
0x1cb: {  	[sflag:s7] =	ssyncset.done $0x0  }
0x1cc: {  	[sflag:s7] =	ssyncadd.s32 $0xFFFFFF9C  }
0x1cd: {  	_ =	swait.ge [sflag:s7], $0x64  }
0x1ce: {  	[sflag:s7] =	ssyncset.done $0x0  }
0x1cf: {  	[sflag:s7] =	ssyncadd.s32 $0xFFFFFF9C  }
0x1d0: {  	_ =	swait.ge [sflag:s7], $0x64  }
0x1d1: {  	[sflag:s7] =	ssyncset.done $0x0  }
0x1d2: {  	[sflag:s7] =	ssyncadd.s32 $0xFFFFFF9C  }
0x1d3: {  	_ =	swait.ge [sflag:s7], $0x64  }
0x1d4: {  	[sflag:s7] =	ssyncset.done $0x0  }
0x1d5: {  	[sflag:s7] =	ssyncadd.s32 $0xFFFFFF9C  }
0x1d6: {  	_ =	swait.ge [sflag:s7], $0x64  }
0x1d7: {  	[sflag:s7] =	ssyncset.done $0x0  }
0x1d8: {  	[sflag:s7] =	ssyncadd.s32 $0xFFFFFF9C  }
0x1d9: {  	_ =	swait.ge [sflag:s7], $0x64  }
0x1da: {  	[sflag:s7] =	ssyncset.done $0x0  }
0x1db: {  	[sflag:s7] =	ssyncadd.s32 $0xFFFFFF9C  }
0x1dc: {  	_ =	swait.ge [sflag:s7], $0x64  }
0x1dd: {  	[sflag:s7] =	ssyncset.done $0x0  }
0x1de: {  	[sflag:s7] =	ssyncadd.s32 $0xFFFFFF9C  }
0x1df: {  	_ =	swait.ge [sflag:s7], $0x64  }
0x1e0: {  	[sflag:s7] =	ssyncset.done $0x0  }
0x1e1: {  	[sflag:s7] =	ssyncadd.s32 $0xFFFFFF9C  }
0x1e2: {  	_ =	swait.ge [sflag:s7], $0x64  }
0x1e3: {  	[sflag:s7] =	ssyncset.done $0x0  }
0x1e4: {  	[sflag:s7] =	ssyncadd.s32 $0xFFFFFF9C  }
0x1e5: {  	_ =	swait.ge [sflag:s7], $0x64  }
0x1e6: {  	[sflag:s7] =	ssyncset.done $0x0  }
0x1e7: {  	[sflag:s7] =	ssyncadd.s32 $0xFFFFFF9C  }
0x1e8: {  	_ =	swait.ge [sflag:s7], $0x64  }
0x1e9: {  	[sflag:s7] =	ssyncset.done $0x0  }
0x1ea: {  	s13 =	simm.s32 $0x0;
	[sflag:s7] =	ssyncadd.s32 $0xFFFFFF9C  }
0x1eb: {  	[hbm4b:s16+s13] =	stream.linear.scatter [tilespmem:s9], [sflag:$0x3], $0x2000, $0x38;
	[tilespmem:$0x1B1A8] =	vst v63  }
0x1ec: {  	_ = 	snop  }
0x1ed: {  	[tilespmem:s4], [sflag:$0x2] =	stream.linear.gather [hbm4b:s17+s13], $0x2000, $0x38;
	[tilespmem:$0x1B1A8] =	vst v63  }
0x1ee: {  	_ =	swait.ge [sflag:s5], $0x2000  }
0x1ef: {  	[sflag:s5] =	ssyncset.done $0x0  }
0x1f0: {  	[sflag:s5] =	ssyncadd.s32 $0xFFFFE000  }
0x1f1: {  	_ =	swait.ge [sflag:s10], $0x2000  }
0x1f2: {  	p1 =	por $0x1, $0x1;
	[sflag:s10] =	ssyncset.done $0x0  }
0x1f3: {  	s12 =	simm.s32 $0x4000;
	s15 =	simm.s32 @!p1 $0x1;
	[sflag:s10] =	ssyncadd.s32 $0xFFFFE000  }
0x1f4: {  	[tilespmem:s12], [sflag:$0x1] =	stream.indirect.gather [spmem:s1], $0x1, s13, s6, $0xb8;
	[tilespmem:$0x1B1A8] =	vst v63  }
0x1f5: {  	_ =	swait.ge @!p1 [sflag:s15], $0x64  }
0x1f6: {  	s14 =	simm.s32 $0x80;
	s13 =	simm.s32 $0x1;
	[sflag:s15] =	ssyncset.done @!p1 $0x0  }
.LBB2_14:
0x1f7: {  	[sflag:s15] =	ssyncadd.s32 @!p1 $0xFFFFFF9C  }
0x1f8: {  	s12 =	sadd.s32 $0x80, s12;
	s15 =	smov.u32 s13;
	s13 =	sadd.s32 $0x1, s13  }
0x1f9: {  	p2 =	sne.s32 s13, $0x40  }
0x1fa: {  	[tilespmem:s12], [sflag:$0x1] =	stream.indirect.gather [spmem:s1], $0x1, s14, s6, $0xb8;
	[tilespmem:$0x1B1A8] =	vst v63  }
.Ltmp6:
0x1fb: {  	_ = 	snop;
	(pc) =	sbr.rel @p2 .LBB2_14-.Ltmp6, $4  }
0x1fc: {  	p1 =	slt.u32 s15, $0x10  }
0x1fd: {  	s15 =	simm.s32 @!p1 $0x1  }
0x1fe: {  	_ =	swait.ge @!p1 [sflag:s15], $0x64  }
0x1ff: {  	s14 =	sadd.s32 $0x80, s14;
	[sflag:s15] =	ssyncset.done @!p1 $0x0  }
0x200: {  	[sflag:s15] =	ssyncadd.s32 @!p1 $0xFFFFFF9C  }
0x201: {  	_ =	swait.ge [sflag:s7], $0x64  }
0x202: {  	[sflag:s7] =	ssyncset.done $0x0  }
0x203: {  	[sflag:s7] =	ssyncadd.s32 $0xFFFFFF9C  }
0x204: {  	_ =	swait.ge [sflag:s7], $0x64  }
0x205: {  	[sflag:s7] =	ssyncset.done $0x0  }
0x206: {  	[sflag:s7] =	ssyncadd.s32 $0xFFFFFF9C  }
0x207: {  	_ =	swait.ge [sflag:s7], $0x64  }
0x208: {  	[sflag:s7] =	ssyncset.done $0x0  }
0x209: {  	[sflag:s7] =	ssyncadd.s32 $0xFFFFFF9C  }
0x20a: {  	_ =	swait.ge [sflag:s7], $0x64  }
0x20b: {  	[sflag:s7] =	ssyncset.done $0x0  }
0x20c: {  	[sflag:s7] =	ssyncadd.s32 $0xFFFFFF9C  }
0x20d: {  	_ =	swait.ge [sflag:s7], $0x64  }
0x20e: {  	[sflag:s7] =	ssyncset.done $0x0  }
0x20f: {  	[sflag:s7] =	ssyncadd.s32 $0xFFFFFF9C  }
0x210: {  	_ =	swait.ge [sflag:s7], $0x64  }
0x211: {  	[sflag:s7] =	ssyncset.done $0x0  }
0x212: {  	[sflag:s7] =	ssyncadd.s32 $0xFFFFFF9C  }
0x213: {  	_ =	swait.ge [sflag:s7], $0x64  }
0x214: {  	[sflag:s7] =	ssyncset.done $0x0  }
0x215: {  	[sflag:s7] =	ssyncadd.s32 $0xFFFFFF9C  }
0x216: {  	_ =	swait.ge [sflag:s7], $0x64  }
0x217: {  	[sflag:s7] =	ssyncset.done $0x0  }
0x218: {  	[sflag:s7] =	ssyncadd.s32 $0xFFFFFF9C  }
0x219: {  	_ =	swait.ge [sflag:s7], $0x64  }
0x21a: {  	[sflag:s7] =	ssyncset.done $0x0  }
0x21b: {  	[sflag:s7] =	ssyncadd.s32 $0xFFFFFF9C  }
0x21c: {  	_ =	swait.ge [sflag:s7], $0x64  }
0x21d: {  	[sflag:s7] =	ssyncset.done $0x0  }
0x21e: {  	[sflag:s7] =	ssyncadd.s32 $0xFFFFFF9C  }
0x21f: {  	_ =	swait.ge [sflag:s7], $0x64  }
0x220: {  	[sflag:s7] =	ssyncset.done $0x0  }
0x221: {  	[sflag:s7] =	ssyncadd.s32 $0xFFFFFF9C  }
0x222: {  	_ =	swait.ge [sflag:s7], $0x64  }
0x223: {  	[sflag:s7] =	ssyncset.done $0x0  }
0x224: {  	[sflag:s7] =	ssyncadd.s32 $0xFFFFFF9C  }
0x225: {  	_ =	swait.ge [sflag:s7], $0x64  }
0x226: {  	[sflag:s7] =	ssyncset.done $0x0  }
0x227: {  	[sflag:s7] =	ssyncadd.s32 $0xFFFFFF9C  }
0x228: {  	_ =	swait.ge [sflag:s7], $0x64  }
0x229: {  	[sflag:s7] =	ssyncset.done $0x0  }
0x22a: {  	[sflag:s7] =	ssyncadd.s32 $0xFFFFFF9C  }
0x22b: {  	_ =	swait.ge [sflag:s7], $0x64  }
0x22c: {  	[sflag:s7] =	ssyncset.done $0x0  }
0x22d: {  	[sflag:s7] =	ssyncadd.s32 $0xFFFFFF9C  }
0x22e: {  	_ =	swait.ge [sflag:s7], $0x64  }
0x22f: {  	[sflag:s7] =	ssyncset.done $0x0  }
0x230: {  	s12 =	simm.s32 $0x0;
	[sflag:s7] =	ssyncadd.s32 $0xFFFFFF9C  }
0x231: {  	[hbm4b:s18+s12] =	stream.linear.scatter [tilespmem:s8], [sflag:$0x3], $0x2000, $0x38;
	[tilespmem:$0x1B1A8] =	vst v63  }
0x232: {  	_ =	swait.ge [sflag:s5], $0x2000  }
0x233: {  	[sflag:s5] =	ssyncset.done $0x0  }
0x234: {  	[sflag:s5] =	ssyncadd.s32 $0xFFFFE000  }
0x235: {  	_ =	swait.ge [sflag:s10], $0x2000  }
0x236: {  	s13 =	simm.s32 $0x2000;
	p1 =	por $0x1, $0x1;
	[sflag:s10] =	ssyncset.done $0x0  }
0x237: {  	s15 =	simm.s32 @!p1 $0x1;
	s12 =	simm.s32 $0x6000;
	[sflag:s10] =	ssyncadd.s32 $0xFFFFE000  }
0x238: {  	[tilespmem:s12], [sflag:$0x1] =	stream.indirect.gather [spmem:s1], $0x1, s13, s6, $0xb8;
	[tilespmem:$0x1B1A8] =	vst v63  }
0x239: {  	_ =	swait.ge @!p1 [sflag:s15], $0x64  }
0x23a: {  	s14 =	simm.s32 $0x2080;
	s13 =	simm.s32 $0x1;
	[sflag:s15] =	ssyncset.done @!p1 $0x0  }
.LBB2_16:
0x23b: {  	[sflag:s15] =	ssyncadd.s32 @!p1 $0xFFFFFF9C  }
0x23c: {  	s12 =	sadd.s32 $0x80, s12;
	s15 =	smov.u32 s13;
	s13 =	sadd.s32 $0x1, s13  }
0x23d: {  	p2 =	sne.s32 s13, $0x40  }
0x23e: {  	[tilespmem:s12], [sflag:$0x1] =	stream.indirect.gather [spmem:s1], $0x1, s14, s6, $0xb8;
	[tilespmem:$0x1B1A8] =	vst v63  }
.Ltmp7:
0x23f: {  	_ = 	snop;
	(pc) =	sbr.rel @p2 .LBB2_16-.Ltmp7, $4  }
0x240: {  	p1 =	slt.u32 s15, $0x10  }
0x241: {  	s15 =	simm.s32 @!p1 $0x1  }
0x242: {  	_ =	swait.ge @!p1 [sflag:s15], $0x64  }
0x243: {  	s14 =	sadd.s32 $0x80, s14;
	[sflag:s15] =	ssyncset.done @!p1 $0x0  }
0x244: {  	[sflag:s15] =	ssyncadd.s32 @!p1 $0xFFFFFF9C  }
0x245: {  	_ =	swait.ge [sflag:s7], $0x64  }
0x246: {  	[sflag:s7] =	ssyncset.done $0x0  }
0x247: {  	[sflag:s7] =	ssyncadd.s32 $0xFFFFFF9C  }
0x248: {  	_ =	swait.ge [sflag:s7], $0x64  }
0x249: {  	[sflag:s7] =	ssyncset.done $0x0  }
0x24a: {  	[sflag:s7] =	ssyncadd.s32 $0xFFFFFF9C  }
0x24b: {  	_ =	swait.ge [sflag:s7], $0x64  }
0x24c: {  	[sflag:s7] =	ssyncset.done $0x0  }
0x24d: {  	[sflag:s7] =	ssyncadd.s32 $0xFFFFFF9C  }
0x24e: {  	_ =	swait.ge [sflag:s7], $0x64  }
0x24f: {  	[sflag:s7] =	ssyncset.done $0x0  }
0x250: {  	[sflag:s7] =	ssyncadd.s32 $0xFFFFFF9C  }
0x251: {  	_ =	swait.ge [sflag:s7], $0x64  }
0x252: {  	[sflag:s7] =	ssyncset.done $0x0  }
0x253: {  	[sflag:s7] =	ssyncadd.s32 $0xFFFFFF9C  }
0x254: {  	_ =	swait.ge [sflag:s7], $0x64  }
0x255: {  	[sflag:s7] =	ssyncset.done $0x0  }
0x256: {  	[sflag:s7] =	ssyncadd.s32 $0xFFFFFF9C  }
0x257: {  	_ =	swait.ge [sflag:s7], $0x64  }
0x258: {  	[sflag:s7] =	ssyncset.done $0x0  }
0x259: {  	[sflag:s7] =	ssyncadd.s32 $0xFFFFFF9C  }
0x25a: {  	_ =	swait.ge [sflag:s7], $0x64  }
0x25b: {  	[sflag:s7] =	ssyncset.done $0x0  }
0x25c: {  	[sflag:s7] =	ssyncadd.s32 $0xFFFFFF9C  }
0x25d: {  	_ =	swait.ge [sflag:s7], $0x64  }
0x25e: {  	[sflag:s7] =	ssyncset.done $0x0  }
0x25f: {  	[sflag:s7] =	ssyncadd.s32 $0xFFFFFF9C  }
0x260: {  	_ =	swait.ge [sflag:s7], $0x64  }
0x261: {  	[sflag:s7] =	ssyncset.done $0x0  }
0x262: {  	[sflag:s7] =	ssyncadd.s32 $0xFFFFFF9C  }
0x263: {  	_ =	swait.ge [sflag:s7], $0x64  }
0x264: {  	[sflag:s7] =	ssyncset.done $0x0  }
0x265: {  	[sflag:s7] =	ssyncadd.s32 $0xFFFFFF9C  }
0x266: {  	_ =	swait.ge [sflag:s7], $0x64  }
0x267: {  	[sflag:s7] =	ssyncset.done $0x0  }
0x268: {  	[sflag:s7] =	ssyncadd.s32 $0xFFFFFF9C  }
0x269: {  	_ =	swait.ge [sflag:s7], $0x64  }
0x26a: {  	[sflag:s7] =	ssyncset.done $0x0  }
0x26b: {  	[sflag:s7] =	ssyncadd.s32 $0xFFFFFF9C  }
0x26c: {  	_ =	swait.ge [sflag:s7], $0x64  }
0x26d: {  	[sflag:s7] =	ssyncset.done $0x0  }
0x26e: {  	[sflag:s7] =	ssyncadd.s32 $0xFFFFFF9C  }
0x26f: {  	_ =	swait.ge [sflag:s7], $0x64  }
0x270: {  	[sflag:s7] =	ssyncset.done $0x0  }
0x271: {  	[sflag:s7] =	ssyncadd.s32 $0xFFFFFF9C  }
0x272: {  	_ =	swait.ge [sflag:s7], $0x64  }
0x273: {  	[sflag:s7] =	ssyncset.done $0x0  }
0x274: {  	s11 =	sadd.s32 $0x1, s11;
	[sflag:s7] =	ssyncadd.s32 $0xFFFFFF9C  }
0x275: {  	[hbm4b:s19+s2] =	stream.linear.scatter [tilespmem:s9], [sflag:$0x3], $0x2000, $0x38;
	[tilespmem:$0x1B1A8] =	vst v63  }
0x276: {  	p1 =	sne.s32 s11, s30;
	_ =	swait.ge [sflag:s10], $0x2000  }
.Ltmp8:
0x277: {  	[sflag:s10] =	ssyncset.done $0x0;
	(pc) =	sbr.rel @p1 .LBB2_1-.Ltmp8, $4  }
0x278: {  	[sflag:s10] =	ssyncadd.s32 $0xFFFFE000  }
0x279: {  	_ =	swait.ge [sflag:s10], $0x2000  }
0x27a: {  	[sflag:s10] =	ssyncset.done $0x0  }
0x27b: {  	[sflag:s10] =	ssyncadd.s32 $0xFFFFE000  }
0x27c: {  	_ =	sfence.sel $0x180000  }
0x27d: {  	[bflag:$0x0] =	sbarrier.arrive $0xFFFF  }
0x27e: {  	_ =	strace $0x90000047  }
0x27f: {  	s0 =	stileid.u32;
	[bflag:$0x2] =	sbarrier.arrive $0xFFFF  }
0x280: {  	p0 =	sne.s32 s0, $0x0;
	s0 =	rddreg [dreg:$0x3]  }
0x281: {  	s0 =	sadd.s32 @!p0 $0x100000, s0  }
0x282: {  	[sflag:s0] =	ssyncadd.tile.s32 @!p0 $0x1;
	_ =	shalt  }
.Lfunc_end2:
_tile_overlayer_lowered:
.L_overlay_start_2:
0x283: {  	(tag) =	ssettag $0x2  }
0x284: {  	s0 =	rddreg [dreg:$0x0];
	s2 =	stileid.u32  }
0x285: {  	s1 =	rddreg [dreg:$0x1];
	p0 =	sne.s32 s2, $0x0  }
0x286: {  	s3 =	rddreg [dreg:$0x2];
	[bflag:$0x3] =	sbarrier.arrive $0xFFFF;
	s2 =	simm.s32 @!p0 $0x1C04  }
0x287: {  	[timem:s3], [sflag:s2] =	dma.local @!p0 [hbm:s0], s1  }
0x288: {  	s0 =	simm.s32 @!p0 $0x4  }
0x289: {  	_ =	swait.ge @!p0 [sflag:s0], s1  }
0x28a: {  	s1 =	ssub.s32 @!p0 $0x0, s1;
	[sflag:s0] =	ssyncset.done @!p0 $0x0  }
0x28b: {  	[sflag:s0] =	ssyncadd.s32 @!p0 s1  }
0x28c: {  	[bflag:$0x3] =	sbarrier.arrive $0xFFFF  }
0x28d: {  	_ =	shalt  }

</sc_bundles>
